<compile_context>
chip_gen: v7x
topology: tpu7x:2x2x1
jax: 0.10.2.dev20260603
libtpu: 0.0.44.dev20260713+nightly
codegen_flags: <defaults>
</compile_context>

<pallas_src>
import functools

import jax
import jax.numpy as jnp
from jax import lax
from jax.experimental import pallas as pl
from jax.experimental.pallas import tpu as pltpu
from jax.experimental.pallas import tpu_sc as plsc

VOCAB = 100000
EMBED = 32
BATCH = 1024
CTX = 20

NUM_CORES = 2
NUM_SUBCORES = 16
NW = NUM_CORES * NUM_SUBCORES
B_PER_W = BATCH // NW
IDX_PER_W = B_PER_W * CTX
IDX_CHUNK = 128
N_CHUNKS = IDX_PER_W // IDX_CHUNK


def _pool_body(idx_hbm, table_hbm, out_hbm, idx_v, rows_v, pooled_v, sem):
    wid = lax.axis_index("s") * NUM_CORES + lax.axis_index("c")
    base = wid * IDX_PER_W
    for j in range(N_CHUNKS):
        pltpu.sync_copy(
            idx_hbm.at[pl.ds(base + j * IDX_CHUNK, IDX_CHUNK)], idx_v.at[j]
        )
    copies = [
        pltpu.async_copy(
            table_hbm.at[idx_v.at[j]],
            rows_v.at[pl.ds(j * IDX_CHUNK, IDX_CHUNK)],
            sem,
        )
        for j in range(N_CHUNKS)
    ]
    for c in copies:
        c.wait()

    def body(i, carry):
        a0 = jnp.zeros((16,), jnp.float32)
        a1 = jnp.zeros((16,), jnp.float32)
        jbase = i * CTX
        for c in range(CTX):
            a0 = a0 + rows_v[jbase + c, 0:16]
            a1 = a1 + rows_v[jbase + c, 16:32]
        pooled_v[i, 0:16] = a0
        pooled_v[i, 16:32] = a1
        return carry

    lax.fori_loop(0, B_PER_W, body, 0)
    pltpu.sync_copy(pooled_v, out_hbm.at[pl.ds(wid * B_PER_W, B_PER_W)])


def _pool_sc(idx_flat, emb_table):
    mesh = plsc.VectorSubcoreMesh(core_axis_name="c", subcore_axis_name="s")
    k = functools.partial(
        pl.kernel,
        mesh=mesh,
        out_type=jax.ShapeDtypeStruct((BATCH, EMBED), jnp.float32),
        scratch_types=[
            pltpu.VMEM((N_CHUNKS, IDX_CHUNK), jnp.int32),
            pltpu.VMEM((IDX_PER_W, 128), jnp.float32),
            pltpu.VMEM((B_PER_W, EMBED), jnp.float32),
            pltpu.SemaphoreType.DMA,
        ],
        compiler_params=pltpu.CompilerParams(use_tc_tiling_on_sc=False),
    )(_pool_body)
    return k(idx_flat, emb_table)


DT_BLK = 16384


def _detile_body(t_ref, o_ref):
    eye128 = (
        lax.broadcasted_iota(jnp.int32, (EMBED, 128), 0)
        == lax.broadcasted_iota(jnp.int32, (EMBED, 128), 1)
    ).astype(jnp.float32)
    x = t_ref[...]
    x_hi = x.astype(jnp.bfloat16).astype(jnp.float32)
    x_lo = x - x_hi
    dims = (((0,), (0,)), ((), ()))
    o_ref[...] = lax.dot_general(
        x_hi, eye128, dims, preferred_element_type=jnp.float32
    ) + lax.dot_general(
        x_lo, eye128, dims, preferred_element_type=jnp.float32
    )


def _detile_tc(embT):
    return pl.pallas_call(
        _detile_body,
        grid=(pl.cdiv(VOCAB, DT_BLK),),
        in_specs=[pl.BlockSpec((EMBED, DT_BLK), lambda i: (0, i))],
        out_specs=pl.BlockSpec((DT_BLK, 128), lambda i: (i, 0)),
        out_shape=jax.ShapeDtypeStruct((VOCAB, 128), jnp.float32),
    )(embT)


V_BLK = 2048


def _mm_body(p_ref, wt_ref, b_ref, o_ref):
    prod = lax.dot_general(
        wt_ref[...], p_ref[...],
        (((0,), (1,)), ((), ())),
        preferred_element_type=jnp.float32,
    )
    bias = lax.dot_general(
        b_ref[...], jnp.ones((1, BATCH), jnp.float32),
        (((0,), (0,)), ((), ())),
        preferred_element_type=jnp.float32,
    )
    o_ref[...] = prod + bias


def _project_tc(pooled, Wt, b2):
    grid = pl.cdiv(VOCAB, V_BLK)
    return pl.pallas_call(
        _mm_body,
        grid=(grid,),
        in_specs=[
            pl.BlockSpec((BATCH, EMBED), lambda i: (0, 0)),
            pl.BlockSpec((EMBED, V_BLK), lambda i: (0, i)),
            pl.BlockSpec((1, V_BLK), lambda i: (0, i)),
        ],
        out_specs=pl.BlockSpec((V_BLK, BATCH), lambda i: (i, 0)),
        out_shape=jax.ShapeDtypeStruct((VOCAB, BATCH), jnp.float32),
    )(pooled, Wt, b2)


def kernel(inputs, emb_table, W, b):
    idx_flat = inputs.astype(jnp.int32).reshape(BATCH * CTX)
    pooled = _pool_sc(idx_flat, _detile_tc(emb_table.T))
    out_t = _project_tc(pooled, W.T, b.reshape(1, VOCAB))
    return out_t.T

# --- scband reference (transcript-rebuilt; emitter-appended) ---
"""Pipeline reference for scband-cbow-5488968204341 (READ-ONLY COPY).

The authoritative reference and input builder live on the scoring server;
editing this copy changes nothing except your own understanding.
"""

import jax, jax.numpy as jnp
import numpy as np

VOCAB = 100000
EMBED = 32
BATCH = 1024
CTX = 20

def setup_inputs(seed: int = 0) -> dict:
    key = jax.random.key(seed)
    k_idx, k_emb, k_w = jax.random.split(key, 3)
    inputs = jax.random.randint(k_idx, (BATCH, CTX), 0, VOCAB, dtype=jnp.int64)
    # nn.Embedding weight, init uniform(-0.5, 0.5)
    emb_table = jax.random.uniform(k_emb, (VOCAB, EMBED), dtype=jnp.float32, minval=-0.5, maxval=0.5)
    # nn.Linear(embedding_dim, vocab_size): weight [vocab, embed], bias zeros
    W = jax.random.uniform(k_w, (VOCAB, EMBED), dtype=jnp.float32, minval=-0.5, maxval=0.5)
    b = jnp.zeros((VOCAB,), dtype=jnp.float32)
    return {"inputs": inputs, "emb_table": emb_table, "W": W, "b": b}

def reference(inputs, emb_table, W, b):
    # embeds = self.embeddings(inputs)  -> gather
    embeds = jnp.take(emb_table, inputs, axis=0)  # [B, CTX, EMBED]
    # out = torch.sum(embeds, dim=1)
    out = jnp.sum(embeds, axis=1)  # [B, EMBED]
    # out = self.linear(out)
    out = out @ W.T + b  # [B, VOCAB]
    return out

if __name__ == "__main__":
    import jax
    _d = setup_inputs()
    print(jax.jit(kernel)(*tuple(_d.values())))

</pallas_src>

<mosaic_0001>
#map = affine_map<(d0, d1) -> (0)>
#map1 = affine_map<(d0, d1) -> (0, 0)>
module attributes {stable_mosaic.version = 14 : i64} {
  func.func @_pool_body(%arg0: i32, %arg1: i32, %arg2: memref<20480xi32, #tpu.memory_space<hbm>>, %arg3: memref<100000x128xf32, #tpu.memory_space<hbm>>, %arg4: memref<1024x32xf32, #tpu.memory_space<hbm>>, %arg5: memref<5x128xi32, #tpu.memory_space<vmem>>, %arg6: memref<640x128xf32, #tpu.memory_space<vmem>>, %arg7: memref<32x32xf32, #tpu.memory_space<vmem>>, %arg8: memref<!tpu.dma_semaphore, #tpu.memory_space<semaphore_mem>>) attributes {dimension_semantics = [#tpu.dimension_semantics<core_parallel>, #tpu.dimension_semantics<subcore_parallel>], iteration_bounds = array<i64: 2, 16>, scalar_prefetch = 0 : i64, scratch_operands = 4 : i64, tpu.core_type = #tpu.core_type<sc_vector_subcore>, window_params = [{transform_indices = #map}, {transform_indices = #map1}, {transform_indices = #map1}]} {
    %mul3A = arith.constant 2 : i32
    %mul3A_0 = arith.muli %arg1, %mul3A : i32
    %add3A = arith.addi %mul3A_0, %arg0 : i32
    %mul3A_1 = arith.constant 640 : i32
    %mul3A_2 = arith.muli %add3A, %mul3A_1 : i32
    %add3A_3 = arith.constant 0 : i32
    %add3A_4 = arith.addi %mul3A_2, %add3A_3 : i32
    %run_scoped3A = arith.constant 0 : i32
    "tpu.region"() ({
      %run_scoped3A_122 = tpu.sem_alloc : memref<!tpu.dma_semaphore, #tpu.memory_space<semaphore_mem>>
      %dma_start3A_123 = arith.constant 0 : i32
      %dma_start3A_124 = tpu.memref_slice %arg5[%run_scoped3A, %dma_start3A_123] : memref<5x128xi32, #tpu.memory_space<vmem>> -> memref<1x128xi32, #tpu.memory_space<vmem>>
      %dma_start3A_125 = tpu.memref_squeeze %dma_start3A_124 : memref<1x128xi32, #tpu.memory_space<vmem>> -> memref<128xi32, #tpu.memory_space<vmem>>
      %dma_start3A_126 = tpu.memref_slice %arg2[%add3A_4] : memref<20480xi32, #tpu.memory_space<hbm>> -> memref<128xi32, #tpu.memory_space<hbm>>
      %dma_start3A_127 = arith.constant 0 : i32
      %dma_start3A_128 = tpu.memref_slice %arg5[%run_scoped3A, %dma_start3A_127] : memref<5x128xi32, #tpu.memory_space<vmem>> -> memref<1x128xi32, #tpu.memory_space<vmem>>
      %dma_start3A_129 = tpu.memref_squeeze %dma_start3A_128 : memref<1x128xi32, #tpu.memory_space<vmem>> -> memref<128xi32, #tpu.memory_space<vmem>>
      %dma_start3A_130 = tpu.memref_slice %arg2[%add3A_4] : memref<20480xi32, #tpu.memory_space<hbm>> -> memref<128xi32, #tpu.memory_space<hbm>>
      tpu.enqueue_dma source(%dma_start3A_130 : memref<128xi32, #tpu.memory_space<hbm>>) target(%dma_start3A_129 : memref<128xi32, #tpu.memory_space<vmem>>) target_semaphore(%run_scoped3A_122 : memref<!tpu.dma_semaphore, #tpu.memory_space<semaphore_mem>>)
      %dma_wait3A_131 = arith.constant 0 : i32
      %dma_wait3A_132 = tpu.memref_slice %arg5[%run_scoped3A, %dma_wait3A_131] : memref<5x128xi32, #tpu.memory_space<vmem>> -> memref<1x128xi32, #tpu.memory_space<vmem>>
      %dma_wait3A_133 = tpu.memref_squeeze %dma_wait3A_132 : memref<1x128xi32, #tpu.memory_space<vmem>> -> memref<128xi32, #tpu.memory_space<vmem>>
      %dma_wait3A_134 = tpu.memref_slice %arg2[%add3A_4] : memref<20480xi32, #tpu.memory_space<hbm>> -> memref<128xi32, #tpu.memory_space<hbm>>
      %dma_wait3A_135 = arith.constant 0 : i32
      %dma_wait3A_136 = tpu.memref_slice %arg5[%run_scoped3A, %dma_wait3A_135] : memref<5x128xi32, #tpu.memory_space<vmem>> -> memref<1x128xi32, #tpu.memory_space<vmem>>
      %dma_wait3A_137 = tpu.memref_squeeze %dma_wait3A_136 : memref<1x128xi32, #tpu.memory_space<vmem>> -> memref<128xi32, #tpu.memory_space<vmem>>
      %dma_wait3A_138 = tpu.memref_slice %arg2[%add3A_4] : memref<20480xi32, #tpu.memory_space<hbm>> -> memref<128xi32, #tpu.memory_space<hbm>>
      tpu.wait_dma2 semaphore(%run_scoped3A_122 : memref<!tpu.dma_semaphore, #tpu.memory_space<semaphore_mem>>) src(%dma_wait3A_138 : memref<128xi32, #tpu.memory_space<hbm>>) dst(%dma_wait3A_137 : memref<128xi32, #tpu.memory_space<vmem>>)
      tpu.yield
    }) : () -> ()
    %add3A_5 = arith.constant 128 : i32
    %add3A_6 = arith.addi %mul3A_2, %add3A_5 : i32
    %run_scoped3A_7 = arith.constant 1 : i32
    "tpu.region"() ({
      %run_scoped3A_122 = tpu.sem_alloc : memref<!tpu.dma_semaphore, #tpu.memory_space<semaphore_mem>>
      %dma_start3A_123 = arith.constant 0 : i32
      %dma_start3A_124 = tpu.memref_slice %arg5[%run_scoped3A_7, %dma_start3A_123] : memref<5x128xi32, #tpu.memory_space<vmem>> -> memref<1x128xi32, #tpu.memory_space<vmem>>
      %dma_start3A_125 = tpu.memref_squeeze %dma_start3A_124 : memref<1x128xi32, #tpu.memory_space<vmem>> -> memref<128xi32, #tpu.memory_space<vmem>>
      %dma_start3A_126 = tpu.memref_slice %arg2[%add3A_6] : memref<20480xi32, #tpu.memory_space<hbm>> -> memref<128xi32, #tpu.memory_space<hbm>>
      %dma_start3A_127 = arith.constant 0 : i32
      %dma_start3A_128 = tpu.memref_slice %arg5[%run_scoped3A_7, %dma_start3A_127] : memref<5x128xi32, #tpu.memory_space<vmem>> -> memref<1x128xi32, #tpu.memory_space<vmem>>
      %dma_start3A_129 = tpu.memref_squeeze %dma_start3A_128 : memref<1x128xi32, #tpu.memory_space<vmem>> -> memref<128xi32, #tpu.memory_space<vmem>>
      %dma_start3A_130 = tpu.memref_slice %arg2[%add3A_6] : memref<20480xi32, #tpu.memory_space<hbm>> -> memref<128xi32, #tpu.memory_space<hbm>>
      tpu.enqueue_dma source(%dma_start3A_130 : memref<128xi32, #tpu.memory_space<hbm>>) target(%dma_start3A_129 : memref<128xi32, #tpu.memory_space<vmem>>) target_semaphore(%run_scoped3A_122 : memref<!tpu.dma_semaphore, #tpu.memory_space<semaphore_mem>>)
      %dma_wait3A_131 = arith.constant 0 : i32
      %dma_wait3A_132 = tpu.memref_slice %arg5[%run_scoped3A_7, %dma_wait3A_131] : memref<5x128xi32, #tpu.memory_space<vmem>> -> memref<1x128xi32, #tpu.memory_space<vmem>>
      %dma_wait3A_133 = tpu.memref_squeeze %dma_wait3A_132 : memref<1x128xi32, #tpu.memory_space<vmem>> -> memref<128xi32, #tpu.memory_space<vmem>>
      %dma_wait3A_134 = tpu.memref_slice %arg2[%add3A_6] : memref<20480xi32, #tpu.memory_space<hbm>> -> memref<128xi32, #tpu.memory_space<hbm>>
      %dma_wait3A_135 = arith.constant 0 : i32
      %dma_wait3A_136 = tpu.memref_slice %arg5[%run_scoped3A_7, %dma_wait3A_135] : memref<5x128xi32, #tpu.memory_space<vmem>> -> memref<1x128xi32, #tpu.memory_space<vmem>>
      %dma_wait3A_137 = tpu.memref_squeeze %dma_wait3A_136 : memref<1x128xi32, #tpu.memory_space<vmem>> -> memref<128xi32, #tpu.memory_space<vmem>>
      %dma_wait3A_138 = tpu.memref_slice %arg2[%add3A_6] : memref<20480xi32, #tpu.memory_space<hbm>> -> memref<128xi32, #tpu.memory_space<hbm>>
      tpu.wait_dma2 semaphore(%run_scoped3A_122 : memref<!tpu.dma_semaphore, #tpu.memory_space<semaphore_mem>>) src(%dma_wait3A_138 : memref<128xi32, #tpu.memory_space<hbm>>) dst(%dma_wait3A_137 : memref<128xi32, #tpu.memory_space<vmem>>)
      tpu.yield
    }) : () -> ()
    %add3A_8 = arith.constant 256 : i32
    %add3A_9 = arith.addi %mul3A_2, %add3A_8 : i32
    %run_scoped3A_10 = arith.constant 2 : i32
    "tpu.region"() ({
      %run_scoped3A_122 = tpu.sem_alloc : memref<!tpu.dma_semaphore, #tpu.memory_space<semaphore_mem>>
      %dma_start3A_123 = arith.constant 0 : i32
      %dma_start3A_124 = tpu.memref_slice %arg5[%run_scoped3A_10, %dma_start3A_123] : memref<5x128xi32, #tpu.memory_space<vmem>> -> memref<1x128xi32, #tpu.memory_space<vmem>>
      %dma_start3A_125 = tpu.memref_squeeze %dma_start3A_124 : memref<1x128xi32, #tpu.memory_space<vmem>> -> memref<128xi32, #tpu.memory_space<vmem>>
      %dma_start3A_126 = tpu.memref_slice %arg2[%add3A_9] : memref<20480xi32, #tpu.memory_space<hbm>> -> memref<128xi32, #tpu.memory_space<hbm>>
      %dma_start3A_127 = arith.constant 0 : i32
      %dma_start3A_128 = tpu.memref_slice %arg5[%run_scoped3A_10, %dma_start3A_127] : memref<5x128xi32, #tpu.memory_space<vmem>> -> memref<1x128xi32, #tpu.memory_space<vmem>>
      %dma_start3A_129 = tpu.memref_squeeze %dma_start3A_128 : memref<1x128xi32, #tpu.memory_space<vmem>> -> memref<128xi32, #tpu.memory_space<vmem>>
      %dma_start3A_130 = tpu.memref_slice %arg2[%add3A_9] : memref<20480xi32, #tpu.memory_space<hbm>> -> memref<128xi32, #tpu.memory_space<hbm>>
      tpu.enqueue_dma source(%dma_start3A_130 : memref<128xi32, #tpu.memory_space<hbm>>) target(%dma_start3A_129 : memref<128xi32, #tpu.memory_space<vmem>>) target_semaphore(%run_scoped3A_122 : memref<!tpu.dma_semaphore, #tpu.memory_space<semaphore_mem>>)
      %dma_wait3A_131 = arith.constant 0 : i32
      %dma_wait3A_132 = tpu.memref_slice %arg5[%run_scoped3A_10, %dma_wait3A_131] : memref<5x128xi32, #tpu.memory_space<vmem>> -> memref<1x128xi32, #tpu.memory_space<vmem>>
      %dma_wait3A_133 = tpu.memref_squeeze %dma_wait3A_132 : memref<1x128xi32, #tpu.memory_space<vmem>> -> memref<128xi32, #tpu.memory_space<vmem>>
      %dma_wait3A_134 = tpu.memref_slice %arg2[%add3A_9] : memref<20480xi32, #tpu.memory_space<hbm>> -> memref<128xi32, #tpu.memory_space<hbm>>
      %dma_wait3A_135 = arith.constant 0 : i32
      %dma_wait3A_136 = tpu.memref_slice %arg5[%run_scoped3A_10, %dma_wait3A_135] : memref<5x128xi32, #tpu.memory_space<vmem>> -> memref<1x128xi32, #tpu.memory_space<vmem>>
      %dma_wait3A_137 = tpu.memref_squeeze %dma_wait3A_136 : memref<1x128xi32, #tpu.memory_space<vmem>> -> memref<128xi32, #tpu.memory_space<vmem>>
      %dma_wait3A_138 = tpu.memref_slice %arg2[%add3A_9] : memref<20480xi32, #tpu.memory_space<hbm>> -> memref<128xi32, #tpu.memory_space<hbm>>
      tpu.wait_dma2 semaphore(%run_scoped3A_122 : memref<!tpu.dma_semaphore, #tpu.memory_space<semaphore_mem>>) src(%dma_wait3A_138 : memref<128xi32, #tpu.memory_space<hbm>>) dst(%dma_wait3A_137 : memref<128xi32, #tpu.memory_space<vmem>>)
      tpu.yield
    }) : () -> ()
    %add3A_11 = arith.constant 384 : i32
    %add3A_12 = arith.addi %mul3A_2, %add3A_11 : i32
    %run_scoped3A_13 = arith.constant 3 : i32
    "tpu.region"() ({
      %run_scoped3A_122 = tpu.sem_alloc : memref<!tpu.dma_semaphore, #tpu.memory_space<semaphore_mem>>
      %dma_start3A_123 = arith.constant 0 : i32
      %dma_start3A_124 = tpu.memref_slice %arg5[%run_scoped3A_13, %dma_start3A_123] : memref<5x128xi32, #tpu.memory_space<vmem>> -> memref<1x128xi32, #tpu.memory_space<vmem>>
      %dma_start3A_125 = tpu.memref_squeeze %dma_start3A_124 : memref<1x128xi32, #tpu.memory_space<vmem>> -> memref<128xi32, #tpu.memory_space<vmem>>
      %dma_start3A_126 = tpu.memref_slice %arg2[%add3A_12] : memref<20480xi32, #tpu.memory_space<hbm>> -> memref<128xi32, #tpu.memory_space<hbm>>
      %dma_start3A_127 = arith.constant 0 : i32
      %dma_start3A_128 = tpu.memref_slice %arg5[%run_scoped3A_13, %dma_start3A_127] : memref<5x128xi32, #tpu.memory_space<vmem>> -> memref<1x128xi32, #tpu.memory_space<vmem>>
      %dma_start3A_129 = tpu.memref_squeeze %dma_start3A_128 : memref<1x128xi32, #tpu.memory_space<vmem>> -> memref<128xi32, #tpu.memory_space<vmem>>
      %dma_start3A_130 = tpu.memref_slice %arg2[%add3A_12] : memref<20480xi32, #tpu.memory_space<hbm>> -> memref<128xi32, #tpu.memory_space<hbm>>
      tpu.enqueue_dma source(%dma_start3A_130 : memref<128xi32, #tpu.memory_space<hbm>>) target(%dma_start3A_129 : memref<128xi32, #tpu.memory_space<vmem>>) target_semaphore(%run_scoped3A_122 : memref<!tpu.dma_semaphore, #tpu.memory_space<semaphore_mem>>)
      %dma_wait3A_131 = arith.constant 0 : i32
      %dma_wait3A_132 = tpu.memref_slice %arg5[%run_scoped3A_13, %dma_wait3A_131] : memref<5x128xi32, #tpu.memory_space<vmem>> -> memref<1x128xi32, #tpu.memory_space<vmem>>
      %dma_wait3A_133 = tpu.memref_squeeze %dma_wait3A_132 : memref<1x128xi32, #tpu.memory_space<vmem>> -> memref<128xi32, #tpu.memory_space<vmem>>
      %dma_wait3A_134 = tpu.memref_slice %arg2[%add3A_12] : memref<20480xi32, #tpu.memory_space<hbm>> -> memref<128xi32, #tpu.memory_space<hbm>>
      %dma_wait3A_135 = arith.constant 0 : i32
      %dma_wait3A_136 = tpu.memref_slice %arg5[%run_scoped3A_13, %dma_wait3A_135] : memref<5x128xi32, #tpu.memory_space<vmem>> -> memref<1x128xi32, #tpu.memory_space<vmem>>
      %dma_wait3A_137 = tpu.memref_squeeze %dma_wait3A_136 : memref<1x128xi32, #tpu.memory_space<vmem>> -> memref<128xi32, #tpu.memory_space<vmem>>
      %dma_wait3A_138 = tpu.memref_slice %arg2[%add3A_12] : memref<20480xi32, #tpu.memory_space<hbm>> -> memref<128xi32, #tpu.memory_space<hbm>>
      tpu.wait_dma2 semaphore(%run_scoped3A_122 : memref<!tpu.dma_semaphore, #tpu.memory_space<semaphore_mem>>) src(%dma_wait3A_138 : memref<128xi32, #tpu.memory_space<hbm>>) dst(%dma_wait3A_137 : memref<128xi32, #tpu.memory_space<vmem>>)
      tpu.yield
    }) : () -> ()
    %add3A_14 = arith.constant 512 : i32
    %add3A_15 = arith.addi %mul3A_2, %add3A_14 : i32
    %run_scoped3A_16 = arith.constant 4 : i32
    "tpu.region"() ({
      %run_scoped3A_122 = tpu.sem_alloc : memref<!tpu.dma_semaphore, #tpu.memory_space<semaphore_mem>>
      %dma_start3A_123 = arith.constant 0 : i32
      %dma_start3A_124 = tpu.memref_slice %arg5[%run_scoped3A_16, %dma_start3A_123] : memref<5x128xi32, #tpu.memory_space<vmem>> -> memref<1x128xi32, #tpu.memory_space<vmem>>
      %dma_start3A_125 = tpu.memref_squeeze %dma_start3A_124 : memref<1x128xi32, #tpu.memory_space<vmem>> -> memref<128xi32, #tpu.memory_space<vmem>>
      %dma_start3A_126 = tpu.memref_slice %arg2[%add3A_15] : memref<20480xi32, #tpu.memory_space<hbm>> -> memref<128xi32, #tpu.memory_space<hbm>>
      %dma_start3A_127 = arith.constant 0 : i32
      %dma_start3A_128 = tpu.memref_slice %arg5[%run_scoped3A_16, %dma_start3A_127] : memref<5x128xi32, #tpu.memory_space<vmem>> -> memref<1x128xi32, #tpu.memory_space<vmem>>
      %dma_start3A_129 = tpu.memref_squeeze %dma_start3A_128 : memref<1x128xi32, #tpu.memory_space<vmem>> -> memref<128xi32, #tpu.memory_space<vmem>>
      %dma_start3A_130 = tpu.memref_slice %arg2[%add3A_15] : memref<20480xi32, #tpu.memory_space<hbm>> -> memref<128xi32, #tpu.memory_space<hbm>>
      tpu.enqueue_dma source(%dma_start3A_130 : memref<128xi32, #tpu.memory_space<hbm>>) target(%dma_start3A_129 : memref<128xi32, #tpu.memory_space<vmem>>) target_semaphore(%run_scoped3A_122 : memref<!tpu.dma_semaphore, #tpu.memory_space<semaphore_mem>>)
      %dma_wait3A_131 = arith.constant 0 : i32
      %dma_wait3A_132 = tpu.memref_slice %arg5[%run_scoped3A_16, %dma_wait3A_131] : memref<5x128xi32, #tpu.memory_space<vmem>> -> memref<1x128xi32, #tpu.memory_space<vmem>>
      %dma_wait3A_133 = tpu.memref_squeeze %dma_wait3A_132 : memref<1x128xi32, #tpu.memory_space<vmem>> -> memref<128xi32, #tpu.memory_space<vmem>>
      %dma_wait3A_134 = tpu.memref_slice %arg2[%add3A_15] : memref<20480xi32, #tpu.memory_space<hbm>> -> memref<128xi32, #tpu.memory_space<hbm>>
      %dma_wait3A_135 = arith.constant 0 : i32
      %dma_wait3A_136 = tpu.memref_slice %arg5[%run_scoped3A_16, %dma_wait3A_135] : memref<5x128xi32, #tpu.memory_space<vmem>> -> memref<1x128xi32, #tpu.memory_space<vmem>>
      %dma_wait3A_137 = tpu.memref_squeeze %dma_wait3A_136 : memref<1x128xi32, #tpu.memory_space<vmem>> -> memref<128xi32, #tpu.memory_space<vmem>>
      %dma_wait3A_138 = tpu.memref_slice %arg2[%add3A_15] : memref<20480xi32, #tpu.memory_space<hbm>> -> memref<128xi32, #tpu.memory_space<hbm>>
      tpu.wait_dma2 semaphore(%run_scoped3A_122 : memref<!tpu.dma_semaphore, #tpu.memory_space<semaphore_mem>>) src(%dma_wait3A_138 : memref<128xi32, #tpu.memory_space<hbm>>) dst(%dma_wait3A_137 : memref<128xi32, #tpu.memory_space<vmem>>)
      tpu.yield
    }) : () -> ()
    %dma_start3A = arith.constant 0 : i32
    %dma_start3A_17 = arith.constant 0 : i32
    %dma_start3A_18 = arith.constant 0 : i32
    %dma_start3A_19 = tpu.memref_slice %arg6[%dma_start3A_17, %dma_start3A_18] : memref<640x128xf32, #tpu.memory_space<vmem>> -> memref<128x128xf32, #tpu.memory_space<vmem>>
    %dma_start3A_20 = arith.constant 0 : i32
    %dma_start3A_21 = tpu.memref_slice %arg5[%dma_start3A, %dma_start3A_20] : memref<5x128xi32, #tpu.memory_space<vmem>> -> memref<1x128xi32, #tpu.memory_space<vmem>>
    %dma_start3A_22 = tpu.memref_squeeze %dma_start3A_21 : memref<1x128xi32, #tpu.memory_space<vmem>> -> memref<128xi32, #tpu.memory_space<vmem>>
    %dma_start3A_23 = arith.constant 0 : i32
    %dma_start3A_24 = arith.constant 0 : i32
    %dma_start3A_25 = tpu.memref_slice %arg3[%dma_start3A_23, %dma_start3A_24] : memref<100000x128xf32, #tpu.memory_space<hbm>> -> memref<100000x128xf32, #tpu.memory_space<hbm>>
    tpu.enqueue_indirect_dma source(%dma_start3A_25 : memref<100000x128xf32, #tpu.memory_space<hbm>>) target(%dma_start3A_19 : memref<128x128xf32, #tpu.memory_space<vmem>>) offsets(%dma_start3A_22 : memref<128xi32, #tpu.memory_space<vmem>>) semaphore(%arg8 : memref<!tpu.dma_semaphore, #tpu.memory_space<semaphore_mem>>)
    %dma_start3A_26 = arith.constant 1 : i32
    %dma_start3A_27 = arith.constant 128 : i32
    %dma_start3A_28 = arith.constant 0 : i32
    %dma_start3A_29 = tpu.memref_slice %arg6[%dma_start3A_27, %dma_start3A_28] : memref<640x128xf32, #tpu.memory_space<vmem>> -> memref<128x128xf32, #tpu.memory_space<vmem>>
    %dma_start3A_30 = arith.constant 0 : i32
    %dma_start3A_31 = tpu.memref_slice %arg5[%dma_start3A_26, %dma_start3A_30] : memref<5x128xi32, #tpu.memory_space<vmem>> -> memref<1x128xi32, #tpu.memory_space<vmem>>
    %dma_start3A_32 = tpu.memref_squeeze %dma_start3A_31 : memref<1x128xi32, #tpu.memory_space<vmem>> -> memref<128xi32, #tpu.memory_space<vmem>>
    %dma_start3A_33 = arith.constant 0 : i32
    %dma_start3A_34 = arith.constant 0 : i32
    %dma_start3A_35 = tpu.memref_slice %arg3[%dma_start3A_33, %dma_start3A_34] : memref<100000x128xf32, #tpu.memory_space<hbm>> -> memref<100000x128xf32, #tpu.memory_space<hbm>>
    tpu.enqueue_indirect_dma source(%dma_start3A_35 : memref<100000x128xf32, #tpu.memory_space<hbm>>) target(%dma_start3A_29 : memref<128x128xf32, #tpu.memory_space<vmem>>) offsets(%dma_start3A_32 : memref<128xi32, #tpu.memory_space<vmem>>) semaphore(%arg8 : memref<!tpu.dma_semaphore, #tpu.memory_space<semaphore_mem>>)
    %dma_start3A_36 = arith.constant 2 : i32
    %dma_start3A_37 = arith.constant 256 : i32
    %dma_start3A_38 = arith.constant 0 : i32
    %dma_start3A_39 = tpu.memref_slice %arg6[%dma_start3A_37, %dma_start3A_38] : memref<640x128xf32, #tpu.memory_space<vmem>> -> memref<128x128xf32, #tpu.memory_space<vmem>>
    %dma_start3A_40 = arith.constant 0 : i32
    %dma_start3A_41 = tpu.memref_slice %arg5[%dma_start3A_36, %dma_start3A_40] : memref<5x128xi32, #tpu.memory_space<vmem>> -> memref<1x128xi32, #tpu.memory_space<vmem>>
    %dma_start3A_42 = tpu.memref_squeeze %dma_start3A_41 : memref<1x128xi32, #tpu.memory_space<vmem>> -> memref<128xi32, #tpu.memory_space<vmem>>
    %dma_start3A_43 = arith.constant 0 : i32
    %dma_start3A_44 = arith.constant 0 : i32
    %dma_start3A_45 = tpu.memref_slice %arg3[%dma_start3A_43, %dma_start3A_44] : memref<100000x128xf32, #tpu.memory_space<hbm>> -> memref<100000x128xf32, #tpu.memory_space<hbm>>
    tpu.enqueue_indirect_dma source(%dma_start3A_45 : memref<100000x128xf32, #tpu.memory_space<hbm>>) target(%dma_start3A_39 : memref<128x128xf32, #tpu.memory_space<vmem>>) offsets(%dma_start3A_42 : memref<128xi32, #tpu.memory_space<vmem>>) semaphore(%arg8 : memref<!tpu.dma_semaphore, #tpu.memory_space<semaphore_mem>>)
    %dma_start3A_46 = arith.constant 3 : i32
    %dma_start3A_47 = arith.constant 384 : i32
    %dma_start3A_48 = arith.constant 0 : i32
    %dma_start3A_49 = tpu.memref_slice %arg6[%dma_start3A_47, %dma_start3A_48] : memref<640x128xf32, #tpu.memory_space<vmem>> -> memref<128x128xf32, #tpu.memory_space<vmem>>
    %dma_start3A_50 = arith.constant 0 : i32
    %dma_start3A_51 = tpu.memref_slice %arg5[%dma_start3A_46, %dma_start3A_50] : memref<5x128xi32, #tpu.memory_space<vmem>> -> memref<1x128xi32, #tpu.memory_space<vmem>>
    %dma_start3A_52 = tpu.memref_squeeze %dma_start3A_51 : memref<1x128xi32, #tpu.memory_space<vmem>> -> memref<128xi32, #tpu.memory_space<vmem>>
    %dma_start3A_53 = arith.constant 0 : i32
    %dma_start3A_54 = arith.constant 0 : i32
    %dma_start3A_55 = tpu.memref_slice %arg3[%dma_start3A_53, %dma_start3A_54] : memref<100000x128xf32, #tpu.memory_space<hbm>> -> memref<100000x128xf32, #tpu.memory_space<hbm>>
    tpu.enqueue_indirect_dma source(%dma_start3A_55 : memref<100000x128xf32, #tpu.memory_space<hbm>>) target(%dma_start3A_49 : memref<128x128xf32, #tpu.memory_space<vmem>>) offsets(%dma_start3A_52 : memref<128xi32, #tpu.memory_space<vmem>>) semaphore(%arg8 : memref<!tpu.dma_semaphore, #tpu.memory_space<semaphore_mem>>)
    %dma_start3A_56 = arith.constant 4 : i32
    %dma_start3A_57 = arith.constant 512 : i32
    %dma_start3A_58 = arith.constant 0 : i32
    %dma_start3A_59 = tpu.memref_slice %arg6[%dma_start3A_57, %dma_start3A_58] : memref<640x128xf32, #tpu.memory_space<vmem>> -> memref<128x128xf32, #tpu.memory_space<vmem>>
    %dma_start3A_60 = arith.constant 0 : i32
    %dma_start3A_61 = tpu.memref_slice %arg5[%dma_start3A_56, %dma_start3A_60] : memref<5x128xi32, #tpu.memory_space<vmem>> -> memref<1x128xi32, #tpu.memory_space<vmem>>
    %dma_start3A_62 = tpu.memref_squeeze %dma_start3A_61 : memref<1x128xi32, #tpu.memory_space<vmem>> -> memref<128xi32, #tpu.memory_space<vmem>>
    %dma_start3A_63 = arith.constant 0 : i32
    %dma_start3A_64 = arith.constant 0 : i32
    %dma_start3A_65 = tpu.memref_slice %arg3[%dma_start3A_63, %dma_start3A_64] : memref<100000x128xf32, #tpu.memory_space<hbm>> -> memref<100000x128xf32, #tpu.memory_space<hbm>>
    tpu.enqueue_indirect_dma source(%dma_start3A_65 : memref<100000x128xf32, #tpu.memory_space<hbm>>) target(%dma_start3A_59 : memref<128x128xf32, #tpu.memory_space<vmem>>) offsets(%dma_start3A_62 : memref<128xi32, #tpu.memory_space<vmem>>) semaphore(%arg8 : memref<!tpu.dma_semaphore, #tpu.memory_space<semaphore_mem>>)
    %dma_wait3A = arith.constant 0 : i32
    %dma_wait3A_66 = arith.constant 0 : i32
    %dma_wait3A_67 = arith.constant 0 : i32
    %dma_wait3A_68 = tpu.memref_slice %arg6[%dma_wait3A_66, %dma_wait3A_67] : memref<640x128xf32, #tpu.memory_space<vmem>> -> memref<128x128xf32, #tpu.memory_space<vmem>>
    %dma_wait3A_69 = arith.constant 0 : i32
    %dma_wait3A_70 = tpu.memref_slice %arg5[%dma_wait3A, %dma_wait3A_69] : memref<5x128xi32, #tpu.memory_space<vmem>> -> memref<1x128xi32, #tpu.memory_space<vmem>>
    %dma_wait3A_71 = tpu.memref_squeeze %dma_wait3A_70 : memref<1x128xi32, #tpu.memory_space<vmem>> -> memref<128xi32, #tpu.memory_space<vmem>>
    %dma_wait3A_72 = arith.constant 0 : i32
    %dma_wait3A_73 = arith.constant 0 : i32
    %dma_wait3A_74 = tpu.memref_slice %arg3[%dma_wait3A_72, %dma_wait3A_73] : memref<100000x128xf32, #tpu.memory_space<hbm>> -> memref<100000x128xf32, #tpu.memory_space<hbm>>
    tpu.wait_indirect_dma semaphore(%arg8 : memref<!tpu.dma_semaphore, #tpu.memory_space<semaphore_mem>>) src(%dma_wait3A_74 : memref<100000x128xf32, #tpu.memory_space<hbm>>) dst(%dma_wait3A_68 : memref<128x128xf32, #tpu.memory_space<vmem>>)
    %dma_wait3A_75 = arith.constant 1 : i32
    %dma_wait3A_76 = arith.constant 128 : i32
    %dma_wait3A_77 = arith.constant 0 : i32
    %dma_wait3A_78 = tpu.memref_slice %arg6[%dma_wait3A_76, %dma_wait3A_77] : memref<640x128xf32, #tpu.memory_space<vmem>> -> memref<128x128xf32, #tpu.memory_space<vmem>>
    %dma_wait3A_79 = arith.constant 0 : i32
    %dma_wait3A_80 = tpu.memref_slice %arg5[%dma_wait3A_75, %dma_wait3A_79] : memref<5x128xi32, #tpu.memory_space<vmem>> -> memref<1x128xi32, #tpu.memory_space<vmem>>
    %dma_wait3A_81 = tpu.memref_squeeze %dma_wait3A_80 : memref<1x128xi32, #tpu.memory_space<vmem>> -> memref<128xi32, #tpu.memory_space<vmem>>
    %dma_wait3A_82 = arith.constant 0 : i32
    %dma_wait3A_83 = arith.constant 0 : i32
    %dma_wait3A_84 = tpu.memref_slice %arg3[%dma_wait3A_82, %dma_wait3A_83] : memref<100000x128xf32, #tpu.memory_space<hbm>> -> memref<100000x128xf32, #tpu.memory_space<hbm>>
    tpu.wait_indirect_dma semaphore(%arg8 : memref<!tpu.dma_semaphore, #tpu.memory_space<semaphore_mem>>) src(%dma_wait3A_84 : memref<100000x128xf32, #tpu.memory_space<hbm>>) dst(%dma_wait3A_78 : memref<128x128xf32, #tpu.memory_space<vmem>>)
    %dma_wait3A_85 = arith.constant 2 : i32
    %dma_wait3A_86 = arith.constant 256 : i32
    %dma_wait3A_87 = arith.constant 0 : i32
    %dma_wait3A_88 = tpu.memref_slice %arg6[%dma_wait3A_86, %dma_wait3A_87] : memref<640x128xf32, #tpu.memory_space<vmem>> -> memref<128x128xf32, #tpu.memory_space<vmem>>
    %dma_wait3A_89 = arith.constant 0 : i32
    %dma_wait3A_90 = tpu.memref_slice %arg5[%dma_wait3A_85, %dma_wait3A_89] : memref<5x128xi32, #tpu.memory_space<vmem>> -> memref<1x128xi32, #tpu.memory_space<vmem>>
    %dma_wait3A_91 = tpu.memref_squeeze %dma_wait3A_90 : memref<1x128xi32, #tpu.memory_space<vmem>> -> memref<128xi32, #tpu.memory_space<vmem>>
    %dma_wait3A_92 = arith.constant 0 : i32
    %dma_wait3A_93 = arith.constant 0 : i32
    %dma_wait3A_94 = tpu.memref_slice %arg3[%dma_wait3A_92, %dma_wait3A_93] : memref<100000x128xf32, #tpu.memory_space<hbm>> -> memref<100000x128xf32, #tpu.memory_space<hbm>>
    tpu.wait_indirect_dma semaphore(%arg8 : memref<!tpu.dma_semaphore, #tpu.memory_space<semaphore_mem>>) src(%dma_wait3A_94 : memref<100000x128xf32, #tpu.memory_space<hbm>>) dst(%dma_wait3A_88 : memref<128x128xf32, #tpu.memory_space<vmem>>)
    %dma_wait3A_95 = arith.constant 3 : i32
    %dma_wait3A_96 = arith.constant 384 : i32
    %dma_wait3A_97 = arith.constant 0 : i32
    %dma_wait3A_98 = tpu.memref_slice %arg6[%dma_wait3A_96, %dma_wait3A_97] : memref<640x128xf32, #tpu.memory_space<vmem>> -> memref<128x128xf32, #tpu.memory_space<vmem>>
    %dma_wait3A_99 = arith.constant 0 : i32
    %dma_wait3A_100 = tpu.memref_slice %arg5[%dma_wait3A_95, %dma_wait3A_99] : memref<5x128xi32, #tpu.memory_space<vmem>> -> memref<1x128xi32, #tpu.memory_space<vmem>>
    %dma_wait3A_101 = tpu.memref_squeeze %dma_wait3A_100 : memref<1x128xi32, #tpu.memory_space<vmem>> -> memref<128xi32, #tpu.memory_space<vmem>>
    %dma_wait3A_102 = arith.constant 0 : i32
    %dma_wait3A_103 = arith.constant 0 : i32
    %dma_wait3A_104 = tpu.memref_slice %arg3[%dma_wait3A_102, %dma_wait3A_103] : memref<100000x128xf32, #tpu.memory_space<hbm>> -> memref<100000x128xf32, #tpu.memory_space<hbm>>
    tpu.wait_indirect_dma semaphore(%arg8 : memref<!tpu.dma_semaphore, #tpu.memory_space<semaphore_mem>>) src(%dma_wait3A_104 : memref<100000x128xf32, #tpu.memory_space<hbm>>) dst(%dma_wait3A_98 : memref<128x128xf32, #tpu.memory_space<vmem>>)
    %dma_wait3A_105 = arith.constant 4 : i32
    %dma_wait3A_106 = arith.constant 512 : i32
    %dma_wait3A_107 = arith.constant 0 : i32
    %dma_wait3A_108 = tpu.memref_slice %arg6[%dma_wait3A_106, %dma_wait3A_107] : memref<640x128xf32, #tpu.memory_space<vmem>> -> memref<128x128xf32, #tpu.memory_space<vmem>>
    %dma_wait3A_109 = arith.constant 0 : i32
    %dma_wait3A_110 = tpu.memref_slice %arg5[%dma_wait3A_105, %dma_wait3A_109] : memref<5x128xi32, #tpu.memory_space<vmem>> -> memref<1x128xi32, #tpu.memory_space<vmem>>
    %dma_wait3A_111 = tpu.memref_squeeze %dma_wait3A_110 : memref<1x128xi32, #tpu.memory_space<vmem>> -> memref<128xi32, #tpu.memory_space<vmem>>
    %dma_wait3A_112 = arith.constant 0 : i32
    %dma_wait3A_113 = arith.constant 0 : i32
    %dma_wait3A_114 = tpu.memref_slice %arg3[%dma_wait3A_112, %dma_wait3A_113] : memref<100000x128xf32, #tpu.memory_space<hbm>> -> memref<100000x128xf32, #tpu.memory_space<hbm>>
    tpu.wait_indirect_dma semaphore(%arg8 : memref<!tpu.dma_semaphore, #tpu.memory_space<semaphore_mem>>) src(%dma_wait3A_114 : memref<100000x128xf32, #tpu.memory_space<hbm>>) dst(%dma_wait3A_108 : memref<128x128xf32, #tpu.memory_space<vmem>>)
    %scan3A = arith.constant 0 : i32
    %scan3A_115 = arith.constant 0 : i32
    %scan3A_116 = arith.constant 32 : i32
    %scan3A_117 = arith.addi %scan3A_115, %scan3A_116 : i32
    %scan3A_118 = arith.constant 1 : i32
    scf.for %scan3A_122 = %scan3A_115 to %scan3A_117 step %scan3A_118  : i32 {
      %broadcast_in_dim3A = arith.constant 0.000000e+00 : f32
      %broadcast_in_dim3A_123 = vector.broadcast %broadcast_in_dim3A : f32 to vector<16xf32>
      %broadcast_in_dim3A_124 = arith.constant 0.000000e+00 : f32
      %broadcast_in_dim3A_125 = vector.broadcast %broadcast_in_dim3A_124 : f32 to vector<16xf32>
      %mul3A_126 = arith.constant 20 : i32
      %mul3A_127 = arith.muli %scan3A_122, %mul3A_126 : i32
      %add3A_128 = arith.constant 0 : i32
      %add3A_129 = arith.addi %mul3A_127, %add3A_128 : i32
      %get3A = arith.index_cast %add3A_129 : i32 to index
      %get3A_130 = arith.constant 0 : index
      %get3A_131 = tpu.vector_load %arg6[%get3A, %get3A_130] {strides = array<i32>} : memref<640x128xf32, #tpu.memory_space<vmem>>, vector<1x16xf32>,
      %get3A_132 = vector.shape_cast %get3A_131 : vector<1x16xf32> to vector<16xf32>
      %add3A_133 = arith.addf %broadcast_in_dim3A_123, %get3A_132 : vector<16xf32>
      %add3A_134 = arith.constant 0 : i32
      %add3A_135 = arith.addi %mul3A_127, %add3A_134 : i32
      %get3A_136 = arith.index_cast %add3A_135 : i32 to index
      %get3A_137 = arith.constant 16 : index
      %get3A_138 = tpu.vector_load %arg6[%get3A_136, %get3A_137] {strides = array<i32>} : memref<640x128xf32, #tpu.memory_space<vmem>>, vector<1x16xf32>,
      %get3A_139 = vector.shape_cast %get3A_138 : vector<1x16xf32> to vector<16xf32>
      %add3A_140 = arith.addf %broadcast_in_dim3A_125, %get3A_139 : vector<16xf32>
      %add3A_141 = arith.constant 1 : i32
      %add3A_142 = arith.addi %mul3A_127, %add3A_141 : i32
      %get3A_143 = arith.index_cast %add3A_142 : i32 to index
      %get3A_144 = arith.constant 0 : index
      %get3A_145 = tpu.vector_load %arg6[%get3A_143, %get3A_144] {strides = array<i32>} : memref<640x128xf32, #tpu.memory_space<vmem>>, vector<1x16xf32>,
      %get3A_146 = vector.shape_cast %get3A_145 : vector<1x16xf32> to vector<16xf32>
      %add3A_147 = arith.addf %add3A_133, %get3A_146 : vector<16xf32>
      %add3A_148 = arith.constant 1 : i32
      %add3A_149 = arith.addi %mul3A_127, %add3A_148 : i32
      %get3A_150 = arith.index_cast %add3A_149 : i32 to index
      %get3A_151 = arith.constant 16 : index
      %get3A_152 = tpu.vector_load %arg6[%get3A_150, %get3A_151] {strides = array<i32>} : memref<640x128xf32, #tpu.memory_space<vmem>>, vector<1x16xf32>,
      %get3A_153 = vector.shape_cast %get3A_152 : vector<1x16xf32> to vector<16xf32>
      %add3A_154 = arith.addf %add3A_140, %get3A_153 : vector<16xf32>
      %add3A_155 = arith.constant 2 : i32
      %add3A_156 = arith.addi %mul3A_127, %add3A_155 : i32
      %get3A_157 = arith.index_cast %add3A_156 : i32 to index
      %get3A_158 = arith.constant 0 : index
      %get3A_159 = tpu.vector_load %arg6[%get3A_157, %get3A_158] {strides = array<i32>} : memref<640x128xf32, #tpu.memory_space<vmem>>, vector<1x16xf32>,
      %get3A_160 = vector.shape_cast %get3A_159 : vector<1x16xf32> to vector<16xf32>
      %add3A_161 = arith.addf %add3A_147, %get3A_160 : vector<16xf32>
      %add3A_162 = arith.constant 2 : i32
      %add3A_163 = arith.addi %mul3A_127, %add3A_162 : i32
      %get3A_164 = arith.index_cast %add3A_163 : i32 to index
      %get3A_165 = arith.constant 16 : index
      %get3A_166 = tpu.vector_load %arg6[%get3A_164, %get3A_165] {strides = array<i32>} : memref<640x128xf32, #tpu.memory_space<vmem>>, vector<1x16xf32>,
      %get3A_167 = vector.shape_cast %get3A_166 : vector<1x16xf32> to vector<16xf32>
      %add3A_168 = arith.addf %add3A_154, %get3A_167 : vector<16xf32>
      %add3A_169 = arith.constant 3 : i32
      %add3A_170 = arith.addi %mul3A_127, %add3A_169 : i32
      %get3A_171 = arith.index_cast %add3A_170 : i32 to index
      %get3A_172 = arith.constant 0 : index
      %get3A_173 = tpu.vector_load %arg6[%get3A_171, %get3A_172] {strides = array<i32>} : memref<640x128xf32, #tpu.memory_space<vmem>>, vector<1x16xf32>,
      %get3A_174 = vector.shape_cast %get3A_173 : vector<1x16xf32> to vector<16xf32>
      %add3A_175 = arith.addf %add3A_161, %get3A_174 : vector<16xf32>
      %add3A_176 = arith.constant 3 : i32
      %add3A_177 = arith.addi %mul3A_127, %add3A_176 : i32
      %get3A_178 = arith.index_cast %add3A_177 : i32 to index
      %get3A_179 = arith.constant 16 : index
      %get3A_180 = tpu.vector_load %arg6[%get3A_178, %get3A_179] {strides = array<i32>} : memref<640x128xf32, #tpu.memory_space<vmem>>, vector<1x16xf32>,
      %get3A_181 = vector.shape_cast %get3A_180 : vector<1x16xf32> to vector<16xf32>
      %add3A_182 = arith.addf %add3A_168, %get3A_181 : vector<16xf32>
      %add3A_183 = arith.constant 4 : i32
      %add3A_184 = arith.addi %mul3A_127, %add3A_183 : i32
      %get3A_185 = arith.index_cast %add3A_184 : i32 to index
      %get3A_186 = arith.constant 0 : index
      %get3A_187 = tpu.vector_load %arg6[%get3A_185, %get3A_186] {strides = array<i32>} : memref<640x128xf32, #tpu.memory_space<vmem>>, vector<1x16xf32>,
      %get3A_188 = vector.shape_cast %get3A_187 : vector<1x16xf32> to vector<16xf32>
      %add3A_189 = arith.addf %add3A_175, %get3A_188 : vector<16xf32>
      %add3A_190 = arith.constant 4 : i32
      %add3A_191 = arith.addi %mul3A_127, %add3A_190 : i32
      %get3A_192 = arith.index_cast %add3A_191 : i32 to index
      %get3A_193 = arith.constant 16 : index
      %get3A_194 = tpu.vector_load %arg6[%get3A_192, %get3A_193] {strides = array<i32>} : memref<640x128xf32, #tpu.memory_space<vmem>>, vector<1x16xf32>,
      %get3A_195 = vector.shape_cast %get3A_194 : vector<1x16xf32> to vector<16xf32>
      %add3A_196 = arith.addf %add3A_182, %get3A_195 : vector<16xf32>
      %add3A_197 = arith.constant 5 : i32
      %add3A_198 = arith.addi %mul3A_127, %add3A_197 : i32
      %get3A_199 = arith.index_cast %add3A_198 : i32 to index
      %get3A_200 = arith.constant 0 : index
      %get3A_201 = tpu.vector_load %arg6[%get3A_199, %get3A_200] {strides = array<i32>} : memref<640x128xf32, #tpu.memory_space<vmem>>, vector<1x16xf32>,
      %get3A_202 = vector.shape_cast %get3A_201 : vector<1x16xf32> to vector<16xf32>
      %add3A_203 = arith.addf %add3A_189, %get3A_202 : vector<16xf32>
      %add3A_204 = arith.constant 5 : i32
      %add3A_205 = arith.addi %mul3A_127, %add3A_204 : i32
      %get3A_206 = arith.index_cast %add3A_205 : i32 to index
      %get3A_207 = arith.constant 16 : index
      %get3A_208 = tpu.vector_load %arg6[%get3A_206, %get3A_207] {strides = array<i32>} : memref<640x128xf32, #tpu.memory_space<vmem>>, vector<1x16xf32>,
      %get3A_209 = vector.shape_cast %get3A_208 : vector<1x16xf32> to vector<16xf32>
      %add3A_210 = arith.addf %add3A_196, %get3A_209 : vector<16xf32>
      %add3A_211 = arith.constant 6 : i32
      %add3A_212 = arith.addi %mul3A_127, %add3A_211 : i32
      %get3A_213 = arith.index_cast %add3A_212 : i32 to index
      %get3A_214 = arith.constant 0 : index
      %get3A_215 = tpu.vector_load %arg6[%get3A_213, %get3A_214] {strides = array<i32>} : memref<640x128xf32, #tpu.memory_space<vmem>>, vector<1x16xf32>,
      %get3A_216 = vector.shape_cast %get3A_215 : vector<1x16xf32> to vector<16xf32>
      %add3A_217 = arith.addf %add3A_203, %get3A_216 : vector<16xf32>
      %add3A_218 = arith.constant 6 : i32
      %add3A_219 = arith.addi %mul3A_127, %add3A_218 : i32
      %get3A_220 = arith.index_cast %add3A_219 : i32 to index
      %get3A_221 = arith.constant 16 : index
      %get3A_222 = tpu.vector_load %arg6[%get3A_220, %get3A_221] {strides = array<i32>} : memref<640x128xf32, #tpu.memory_space<vmem>>, vector<1x16xf32>,
      %get3A_223 = vector.shape_cast %get3A_222 : vector<1x16xf32> to vector<16xf32>
      %add3A_224 = arith.addf %add3A_210, %get3A_223 : vector<16xf32>
      %add3A_225 = arith.constant 7 : i32
      %add3A_226 = arith.addi %mul3A_127, %add3A_225 : i32
      %get3A_227 = arith.index_cast %add3A_226 : i32 to index
      %get3A_228 = arith.constant 0 : index
      %get3A_229 = tpu.vector_load %arg6[%get3A_227, %get3A_228] {strides = array<i32>} : memref<640x128xf32, #tpu.memory_space<vmem>>, vector<1x16xf32>,
      %get3A_230 = vector.shape_cast %get3A_229 : vector<1x16xf32> to vector<16xf32>
      %add3A_231 = arith.addf %add3A_217, %get3A_230 : vector<16xf32>
      %add3A_232 = arith.constant 7 : i32
      %add3A_233 = arith.addi %mul3A_127, %add3A_232 : i32
      %get3A_234 = arith.index_cast %add3A_233 : i32 to index
      %get3A_235 = arith.constant 16 : index
      %get3A_236 = tpu.vector_load %arg6[%get3A_234, %get3A_235] {strides = array<i32>} : memref<640x128xf32, #tpu.memory_space<vmem>>, vector<1x16xf32>,
      %get3A_237 = vector.shape_cast %get3A_236 : vector<1x16xf32> to vector<16xf32>
      %add3A_238 = arith.addf %add3A_224, %get3A_237 : vector<16xf32>
      %add3A_239 = arith.constant 8 : i32
      %add3A_240 = arith.addi %mul3A_127, %add3A_239 : i32
      %get3A_241 = arith.index_cast %add3A_240 : i32 to index
      %get3A_242 = arith.constant 0 : index
      %get3A_243 = tpu.vector_load %arg6[%get3A_241, %get3A_242] {strides = array<i32>} : memref<640x128xf32, #tpu.memory_space<vmem>>, vector<1x16xf32>,
      %get3A_244 = vector.shape_cast %get3A_243 : vector<1x16xf32> to vector<16xf32>
      %add3A_245 = arith.addf %add3A_231, %get3A_244 : vector<16xf32>
      %add3A_246 = arith.constant 8 : i32
      %add3A_247 = arith.addi %mul3A_127, %add3A_246 : i32
      %get3A_248 = arith.index_cast %add3A_247 : i32 to index
      %get3A_249 = arith.constant 16 : index
      %get3A_250 = tpu.vector_load %arg6[%get3A_248, %get3A_249] {strides = array<i32>} : memref<640x128xf32, #tpu.memory_space<vmem>>, vector<1x16xf32>,
      %get3A_251 = vector.shape_cast %get3A_250 : vector<1x16xf32> to vector<16xf32>
      %add3A_252 = arith.addf %add3A_238, %get3A_251 : vector<16xf32>
      %add3A_253 = arith.constant 9 : i32
      %add3A_254 = arith.addi %mul3A_127, %add3A_253 : i32
      %get3A_255 = arith.index_cast %add3A_254 : i32 to index
      %get3A_256 = arith.constant 0 : index
      %get3A_257 = tpu.vector_load %arg6[%get3A_255, %get3A_256] {strides = array<i32>} : memref<640x128xf32, #tpu.memory_space<vmem>>, vector<1x16xf32>,
      %get3A_258 = vector.shape_cast %get3A_257 : vector<1x16xf32> to vector<16xf32>
      %add3A_259 = arith.addf %add3A_245, %get3A_258 : vector<16xf32>
      %add3A_260 = arith.constant 9 : i32
      %add3A_261 = arith.addi %mul3A_127, %add3A_260 : i32
      %get3A_262 = arith.index_cast %add3A_261 : i32 to index
      %get3A_263 = arith.constant 16 : index
      %get3A_264 = tpu.vector_load %arg6[%get3A_262, %get3A_263] {strides = array<i32>} : memref<640x128xf32, #tpu.memory_space<vmem>>, vector<1x16xf32>,
      %get3A_265 = vector.shape_cast %get3A_264 : vector<1x16xf32> to vector<16xf32>
      %add3A_266 = arith.addf %add3A_252, %get3A_265 : vector<16xf32>
      %add3A_267 = arith.constant 10 : i32
      %add3A_268 = arith.addi %mul3A_127, %add3A_267 : i32
      %get3A_269 = arith.index_cast %add3A_268 : i32 to index
      %get3A_270 = arith.constant 0 : index
      %get3A_271 = tpu.vector_load %arg6[%get3A_269, %get3A_270] {strides = array<i32>} : memref<640x128xf32, #tpu.memory_space<vmem>>, vector<1x16xf32>,
      %get3A_272 = vector.shape_cast %get3A_271 : vector<1x16xf32> to vector<16xf32>
      %add3A_273 = arith.addf %add3A_259, %get3A_272 : vector<16xf32>
      %add3A_274 = arith.constant 10 : i32
      %add3A_275 = arith.addi %mul3A_127, %add3A_274 : i32
      %get3A_276 = arith.index_cast %add3A_275 : i32 to index
      %get3A_277 = arith.constant 16 : index
      %get3A_278 = tpu.vector_load %arg6[%get3A_276, %get3A_277] {strides = array<i32>} : memref<640x128xf32, #tpu.memory_space<vmem>>, vector<1x16xf32>,
      %get3A_279 = vector.shape_cast %get3A_278 : vector<1x16xf32> to vector<16xf32>
      %add3A_280 = arith.addf %add3A_266, %get3A_279 : vector<16xf32>
      %add3A_281 = arith.constant 11 : i32
      %add3A_282 = arith.addi %mul3A_127, %add3A_281 : i32
      %get3A_283 = arith.index_cast %add3A_282 : i32 to index
      %get3A_284 = arith.constant 0 : index
      %get3A_285 = tpu.vector_load %arg6[%get3A_283, %get3A_284] {strides = array<i32>} : memref<640x128xf32, #tpu.memory_space<vmem>>, vector<1x16xf32>,
      %get3A_286 = vector.shape_cast %get3A_285 : vector<1x16xf32> to vector<16xf32>
      %add3A_287 = arith.addf %add3A_273, %get3A_286 : vector<16xf32>
      %add3A_288 = arith.constant 11 : i32
      %add3A_289 = arith.addi %mul3A_127, %add3A_288 : i32
      %get3A_290 = arith.index_cast %add3A_289 : i32 to index
      %get3A_291 = arith.constant 16 : index
      %get3A_292 = tpu.vector_load %arg6[%get3A_290, %get3A_291] {strides = array<i32>} : memref<640x128xf32, #tpu.memory_space<vmem>>, vector<1x16xf32>,
      %get3A_293 = vector.shape_cast %get3A_292 : vector<1x16xf32> to vector<16xf32>
      %add3A_294 = arith.addf %add3A_280, %get3A_293 : vector<16xf32>
      %add3A_295 = arith.constant 12 : i32
      %add3A_296 = arith.addi %mul3A_127, %add3A_295 : i32
      %get3A_297 = arith.index_cast %add3A_296 : i32 to index
      %get3A_298 = arith.constant 0 : index
      %get3A_299 = tpu.vector_load %arg6[%get3A_297, %get3A_298] {strides = array<i32>} : memref<640x128xf32, #tpu.memory_space<vmem>>, vector<1x16xf32>,
      %get3A_300 = vector.shape_cast %get3A_299 : vector<1x16xf32> to vector<16xf32>
      %add3A_301 = arith.addf %add3A_287, %get3A_300 : vector<16xf32>
      %add3A_302 = arith.constant 12 : i32
      %add3A_303 = arith.addi %mul3A_127, %add3A_302 : i32
      %get3A_304 = arith.index_cast %add3A_303 : i32 to index
      %get3A_305 = arith.constant 16 : index
      %get3A_306 = tpu.vector_load %arg6[%get3A_304, %get3A_305] {strides = array<i32>} : memref<640x128xf32, #tpu.memory_space<vmem>>, vector<1x16xf32>,
      %get3A_307 = vector.shape_cast %get3A_306 : vector<1x16xf32> to vector<16xf32>
      %add3A_308 = arith.addf %add3A_294, %get3A_307 : vector<16xf32>
      %add3A_309 = arith.constant 13 : i32
      %add3A_310 = arith.addi %mul3A_127, %add3A_309 : i32
      %get3A_311 = arith.index_cast %add3A_310 : i32 to index
      %get3A_312 = arith.constant 0 : index
      %get3A_313 = tpu.vector_load %arg6[%get3A_311, %get3A_312] {strides = array<i32>} : memref<640x128xf32, #tpu.memory_space<vmem>>, vector<1x16xf32>,
      %get3A_314 = vector.shape_cast %get3A_313 : vector<1x16xf32> to vector<16xf32>
      %add3A_315 = arith.addf %add3A_301, %get3A_314 : vector<16xf32>
      %add3A_316 = arith.constant 13 : i32
      %add3A_317 = arith.addi %mul3A_127, %add3A_316 : i32
      %get3A_318 = arith.index_cast %add3A_317 : i32 to index
      %get3A_319 = arith.constant 16 : index
      %get3A_320 = tpu.vector_load %arg6[%get3A_318, %get3A_319] {strides = array<i32>} : memref<640x128xf32, #tpu.memory_space<vmem>>, vector<1x16xf32>,
      %get3A_321 = vector.shape_cast %get3A_320 : vector<1x16xf32> to vector<16xf32>
      %add3A_322 = arith.addf %add3A_308, %get3A_321 : vector<16xf32>
      %add3A_323 = arith.constant 14 : i32
      %add3A_324 = arith.addi %mul3A_127, %add3A_323 : i32
      %get3A_325 = arith.index_cast %add3A_324 : i32 to index
      %get3A_326 = arith.constant 0 : index
      %get3A_327 = tpu.vector_load %arg6[%get3A_325, %get3A_326] {strides = array<i32>} : memref<640x128xf32, #tpu.memory_space<vmem>>, vector<1x16xf32>,
      %get3A_328 = vector.shape_cast %get3A_327 : vector<1x16xf32> to vector<16xf32>
      %add3A_329 = arith.addf %add3A_315, %get3A_328 : vector<16xf32>
      %add3A_330 = arith.constant 14 : i32
      %add3A_331 = arith.addi %mul3A_127, %add3A_330 : i32
      %get3A_332 = arith.index_cast %add3A_331 : i32 to index
      %get3A_333 = arith.constant 16 : index
      %get3A_334 = tpu.vector_load %arg6[%get3A_332, %get3A_333] {strides = array<i32>} : memref<640x128xf32, #tpu.memory_space<vmem>>, vector<1x16xf32>,
      %get3A_335 = vector.shape_cast %get3A_334 : vector<1x16xf32> to vector<16xf32>
      %add3A_336 = arith.addf %add3A_322, %get3A_335 : vector<16xf32>
      %add3A_337 = arith.constant 15 : i32
      %add3A_338 = arith.addi %mul3A_127, %add3A_337 : i32
      %get3A_339 = arith.index_cast %add3A_338 : i32 to index
      %get3A_340 = arith.constant 0 : index
      %get3A_341 = tpu.vector_load %arg6[%get3A_339, %get3A_340] {strides = array<i32>} : memref<640x128xf32, #tpu.memory_space<vmem>>, vector<1x16xf32>,
      %get3A_342 = vector.shape_cast %get3A_341 : vector<1x16xf32> to vector<16xf32>
      %add3A_343 = arith.addf %add3A_329, %get3A_342 : vector<16xf32>
      %add3A_344 = arith.constant 15 : i32
      %add3A_345 = arith.addi %mul3A_127, %add3A_344 : i32
      %get3A_346 = arith.index_cast %add3A_345 : i32 to index
      %get3A_347 = arith.constant 16 : index
      %get3A_348 = tpu.vector_load %arg6[%get3A_346, %get3A_347] {strides = array<i32>} : memref<640x128xf32, #tpu.memory_space<vmem>>, vector<1x16xf32>,
      %get3A_349 = vector.shape_cast %get3A_348 : vector<1x16xf32> to vector<16xf32>
      %add3A_350 = arith.addf %add3A_336, %get3A_349 : vector<16xf32>
      %add3A_351 = arith.constant 16 : i32
      %add3A_352 = arith.addi %mul3A_127, %add3A_351 : i32
      %get3A_353 = arith.index_cast %add3A_352 : i32 to index
      %get3A_354 = arith.constant 0 : index
      %get3A_355 = tpu.vector_load %arg6[%get3A_353, %get3A_354] {strides = array<i32>} : memref<640x128xf32, #tpu.memory_space<vmem>>, vector<1x16xf32>,
      %get3A_356 = vector.shape_cast %get3A_355 : vector<1x16xf32> to vector<16xf32>
      %add3A_357 = arith.addf %add3A_343, %get3A_356 : vector<16xf32>
      %add3A_358 = arith.constant 16 : i32
      %add3A_359 = arith.addi %mul3A_127, %add3A_358 : i32
      %get3A_360 = arith.index_cast %add3A_359 : i32 to index
      %get3A_361 = arith.constant 16 : index
      %get3A_362 = tpu.vector_load %arg6[%get3A_360, %get3A_361] {strides = array<i32>} : memref<640x128xf32, #tpu.memory_space<vmem>>, vector<1x16xf32>,
      %get3A_363 = vector.shape_cast %get3A_362 : vector<1x16xf32> to vector<16xf32>
      %add3A_364 = arith.addf %add3A_350, %get3A_363 : vector<16xf32>
      %add3A_365 = arith.constant 17 : i32
      %add3A_366 = arith.addi %mul3A_127, %add3A_365 : i32
      %get3A_367 = arith.index_cast %add3A_366 : i32 to index
      %get3A_368 = arith.constant 0 : index
      %get3A_369 = tpu.vector_load %arg6[%get3A_367, %get3A_368] {strides = array<i32>} : memref<640x128xf32, #tpu.memory_space<vmem>>, vector<1x16xf32>,
      %get3A_370 = vector.shape_cast %get3A_369 : vector<1x16xf32> to vector<16xf32>
      %add3A_371 = arith.addf %add3A_357, %get3A_370 : vector<16xf32>
      %add3A_372 = arith.constant 17 : i32
      %add3A_373 = arith.addi %mul3A_127, %add3A_372 : i32
      %get3A_374 = arith.index_cast %add3A_373 : i32 to index
      %get3A_375 = arith.constant 16 : index
      %get3A_376 = tpu.vector_load %arg6[%get3A_374, %get3A_375] {strides = array<i32>} : memref<640x128xf32, #tpu.memory_space<vmem>>, vector<1x16xf32>,
      %get3A_377 = vector.shape_cast %get3A_376 : vector<1x16xf32> to vector<16xf32>
      %add3A_378 = arith.addf %add3A_364, %get3A_377 : vector<16xf32>
      %add3A_379 = arith.constant 18 : i32
      %add3A_380 = arith.addi %mul3A_127, %add3A_379 : i32
      %get3A_381 = arith.index_cast %add3A_380 : i32 to index
      %get3A_382 = arith.constant 0 : index
      %get3A_383 = tpu.vector_load %arg6[%get3A_381, %get3A_382] {strides = array<i32>} : memref<640x128xf32, #tpu.memory_space<vmem>>, vector<1x16xf32>,
      %get3A_384 = vector.shape_cast %get3A_383 : vector<1x16xf32> to vector<16xf32>
      %add3A_385 = arith.addf %add3A_371, %get3A_384 : vector<16xf32>
      %add3A_386 = arith.constant 18 : i32
      %add3A_387 = arith.addi %mul3A_127, %add3A_386 : i32
      %get3A_388 = arith.index_cast %add3A_387 : i32 to index
      %get3A_389 = arith.constant 16 : index
      %get3A_390 = tpu.vector_load %arg6[%get3A_388, %get3A_389] {strides = array<i32>} : memref<640x128xf32, #tpu.memory_space<vmem>>, vector<1x16xf32>,
      %get3A_391 = vector.shape_cast %get3A_390 : vector<1x16xf32> to vector<16xf32>
      %add3A_392 = arith.addf %add3A_378, %get3A_391 : vector<16xf32>
      %add3A_393 = arith.constant 19 : i32
      %add3A_394 = arith.addi %mul3A_127, %add3A_393 : i32
      %get3A_395 = arith.index_cast %add3A_394 : i32 to index
      %get3A_396 = arith.constant 0 : index
      %get3A_397 = tpu.vector_load %arg6[%get3A_395, %get3A_396] {strides = array<i32>} : memref<640x128xf32, #tpu.memory_space<vmem>>, vector<1x16xf32>,
      %get3A_398 = vector.shape_cast %get3A_397 : vector<1x16xf32> to vector<16xf32>
      %add3A_399 = arith.addf %add3A_385, %get3A_398 : vector<16xf32>
      %add3A_400 = arith.constant 19 : i32
      %add3A_401 = arith.addi %mul3A_127, %add3A_400 : i32
      %get3A_402 = arith.index_cast %add3A_401 : i32 to index
      %get3A_403 = arith.constant 16 : index
      %get3A_404 = tpu.vector_load %arg6[%get3A_402, %get3A_403] {strides = array<i32>} : memref<640x128xf32, #tpu.memory_space<vmem>>, vector<1x16xf32>,
      %get3A_405 = vector.shape_cast %get3A_404 : vector<1x16xf32> to vector<16xf32>
      %add3A_406 = arith.addf %add3A_392, %get3A_405 : vector<16xf32>
      %swap3A = arith.index_cast %scan3A_122 : i32 to index
      %swap3A_407 = arith.constant 0 : index
      %swap3A_408 = tpu.vector_load %arg7[%swap3A, %swap3A_407] {strides = array<i32>} : memref<32x32xf32, #tpu.memory_space<vmem>>, vector<1x16xf32>,
      %swap3A_409 = vector.shape_cast %swap3A_408 : vector<1x16xf32> to vector<16xf32>
      %swap3A_410 = vector.shape_cast %add3A_399 : vector<16xf32> to vector<1x16xf32>
      tpu.vector_store %arg7[%swap3A, %swap3A_407], %swap3A_410 {strides = array<i32>} : memref<32x32xf32, #tpu.memory_space<vmem>>, vector<1x16xf32>,
      %swap3A_411 = arith.index_cast %scan3A_122 : i32 to index
      %swap3A_412 = arith.constant 16 : index
      %swap3A_413 = tpu.vector_load %arg7[%swap3A_411, %swap3A_412] {strides = array<i32>} : memref<32x32xf32, #tpu.memory_space<vmem>>, vector<1x16xf32>,
      %swap3A_414 = vector.shape_cast %swap3A_413 : vector<1x16xf32> to vector<16xf32>
      %swap3A_415 = vector.shape_cast %add3A_406 : vector<16xf32> to vector<1x16xf32>
      tpu.vector_store %arg7[%swap3A_411, %swap3A_412], %swap3A_415 {strides = array<i32>} : memref<32x32xf32, #tpu.memory_space<vmem>>, vector<1x16xf32>,
    }
    %scan3A_119 = arith.constant 32 : i32
    %mul3A_120 = arith.constant 32 : i32
    %mul3A_121 = arith.muli %add3A, %mul3A_120 : i32
    "tpu.region"() ({
      %run_scoped3A_122 = tpu.sem_alloc : memref<!tpu.dma_semaphore, #tpu.memory_space<semaphore_mem>>
      %dma_start3A_123 = arith.constant 0 : i32
      %dma_start3A_124 = tpu.memref_slice %arg4[%mul3A_121, %dma_start3A_123] : memref<1024x32xf32, #tpu.memory_space<hbm>> -> memref<32x32xf32, #tpu.memory_space<hbm>>
      %dma_start3A_125 = arith.constant 0 : i32
      %dma_start3A_126 = tpu.memref_slice %arg4[%mul3A_121, %dma_start3A_125] : memref<1024x32xf32, #tpu.memory_space<hbm>> -> memref<32x32xf32, #tpu.memory_space<hbm>>
      tpu.enqueue_dma source(%arg7 : memref<32x32xf32, #tpu.memory_space<vmem>>) target(%dma_start3A_126 : memref<32x32xf32, #tpu.memory_space<hbm>>) target_semaphore(%run_scoped3A_122 : memref<!tpu.dma_semaphore, #tpu.memory_space<semaphore_mem>>)
      %dma_wait3A_127 = arith.constant 0 : i32
      %dma_wait3A_128 = tpu.memref_slice %arg4[%mul3A_121, %dma_wait3A_127] : memref<1024x32xf32, #tpu.memory_space<hbm>> -> memref<32x32xf32, #tpu.memory_space<hbm>>
      %dma_wait3A_129 = arith.constant 0 : i32
      %dma_wait3A_130 = tpu.memref_slice %arg4[%mul3A_121, %dma_wait3A_129] : memref<1024x32xf32, #tpu.memory_space<hbm>> -> memref<32x32xf32, #tpu.memory_space<hbm>>
      tpu.wait_dma2 semaphore(%run_scoped3A_122 : memref<!tpu.dma_semaphore, #tpu.memory_space<semaphore_mem>>) src(%arg7 : memref<32x32xf32, #tpu.memory_space<vmem>>) dst(%dma_wait3A_130 : memref<32x32xf32, #tpu.memory_space<hbm>>)
      tpu.yield
    }) : () -> ()
    return
  }
}

module attributes {stable_mosaic.version = 14 : i64} {
  func.func @_detile_body(%arg0: i32, %arg1: memref<32x16384xf32, #tpu.memory_space<vmem>>, %arg2: memref<16384x128xf32, #tpu.memory_space<vmem>>) attributes {dimension_semantics = [#tpu.dimension_semantics<arbitrary>], iteration_bounds = array<i64: 7>, scalar_prefetch = 0 : i64, scratch_operands = 0 : i64, tpu.core_type = #tpu.core_type<tc>, window_params = [{transform_indices = @transform_0, window_bounds = array<i64: 32, 16384>}, {transform_indices = @transform_1, window_bounds = array<i64: 16384, 128>}]} {
    %iota3A = tpu.iota {dimensions = array<i32: 0>} : vector<32x128xi32>
    %iota3A_0 = tpu.iota {dimensions = array<i32: 1>} : vector<32x128xi32>
    %eq3A = arith.cmpi eq, %iota3A, %iota3A_0 : vector<32x128xi32>
    %convert_element_type3A = arith.extui %eq3A : vector<32x128xi1> to vector<32x128xi32>
    %convert_element_type3A_1 = arith.sitofp %convert_element_type3A : vector<32x128xi32> to vector<32x128xf32>
    %get3A = arith.constant 0 : index
    %get3A_2 = arith.constant 0 : index
    %get3A_3 = vector.load %arg1[%get3A, %get3A_2] : memref<32x16384xf32, #tpu.memory_space<vmem>>, vector<32x16384xf32>
    %convert_element_type3A_4 = arith.truncf %get3A_3 : vector<32x16384xf32> to vector<32x16384xbf16>
    %convert_element_type3A_5 = arith.extf %convert_element_type3A_4 : vector<32x16384xbf16> to vector<32x16384xf32>
    %sub3A = arith.subf %get3A_3, %convert_element_type3A_5 : vector<32x16384xf32>
    %dot_general3A = arith.constant dense<0.000000e+00> : vector<16384x128xf32>
    %dot_general3A_6 = tpu.matmul %convert_element_type3A_5, %convert_element_type3A_1, %dot_general3A {dimension_numbers = #tpu.dot_dimension_numbers<[0], [0], [1], [1], [0, 1, 1, 1], [], []>, transpose_lhs_hint = false} : vector<32x16384xf32>, vector<32x128xf32>, vector<16384x128xf32> -> vector<16384x128xf32>
    %dot_general3A_7 = arith.constant dense<0.000000e+00> : vector<16384x128xf32>
    %dot_general3A_8 = tpu.matmul %sub3A, %convert_element_type3A_1, %dot_general3A_7 {dimension_numbers = #tpu.dot_dimension_numbers<[0], [0], [1], [1], [0, 1, 1, 1], [], []>, transpose_lhs_hint = false} : vector<32x16384xf32>, vector<32x128xf32>, vector<16384x128xf32> -> vector<16384x128xf32>
    %add3A = arith.addf %dot_general3A_6, %dot_general3A_8 : vector<16384x128xf32>
    %swap3A = arith.constant 0 : index
    %swap3A_9 = arith.constant 0 : index
    %swap3A_10 = vector.load %arg2[%swap3A, %swap3A_9] : memref<16384x128xf32, #tpu.memory_space<vmem>>, vector<16384x128xf32>
    tpu.vector_store %arg2[%swap3A, %swap3A_9], %add3A {strides = array<i32>} : memref<16384x128xf32, #tpu.memory_space<vmem>>, vector<16384x128xf32>,
    return
  }
  func.func @transform_0(%arg0: i32) -> (i32, i32) {
    %c0_i32 = arith.constant 0 : i32
    %c0_i32_0 = arith.constant 0 : i32
    return %c0_i32, %arg0 : i32, i32
  }
  func.func @transform_1(%arg0: i32) -> (i32, i32) {
    %c0_i32 = arith.constant 0 : i32
    %c0_i32_0 = arith.constant 0 : i32
    return %arg0, %c0_i32 : i32, i32
  }
}

module attributes {stable_mosaic.version = 14 : i64} {
  func.func @_mm_body(%arg0: i32, %arg1: memref<1024x32xf32, #tpu.memory_space<vmem>>, %arg2: memref<32x2048xf32, #tpu.memory_space<vmem>>, %arg3: memref<1x2048xf32, #tpu.memory_space<vmem>>, %arg4: memref<2048x1024xf32, #tpu.memory_space<vmem>>) attributes {dimension_semantics = [#tpu.dimension_semantics<arbitrary>], iteration_bounds = array<i64: 49>, scalar_prefetch = 0 : i64, scratch_operands = 0 : i64, tpu.core_type = #tpu.core_type<tc>, window_params = [{pipeline_mode = #tpu.pipeline_mode<synchronous>, transform_indices = @transform_0, window_bounds = array<i64: 1024, 32>}, {transform_indices = @transform_1, window_bounds = array<i64: 32, 2048>}, {transform_indices = @transform_2, window_bounds = array<i64: 1, 2048>}, {transform_indices = @transform_3, window_bounds = array<i64: 2048, 1024>}]} {
    %get3A = arith.constant 0 : index
    %get3A_0 = arith.constant 0 : index
    %get3A_1 = vector.load %arg2[%get3A, %get3A_0] : memref<32x2048xf32, #tpu.memory_space<vmem>>, vector<32x2048xf32>
    %get3A_2 = arith.constant 0 : index
    %get3A_3 = arith.constant 0 : index
    %get3A_4 = vector.load %arg1[%get3A_2, %get3A_3] : memref<1024x32xf32, #tpu.memory_space<vmem>>, vector<1024x32xf32>
    %dot_general3A = arith.constant dense<0.000000e+00> : vector<2048x1024xf32>
    %dot_general3A_5 = tpu.matmul %get3A_1, %get3A_4, %dot_general3A {dimension_numbers = #tpu.dot_dimension_numbers<[0], [1], [1], [0], [0, 1, 1, 0], [], []>, transpose_lhs_hint = false} : vector<32x2048xf32>, vector<1024x32xf32>, vector<2048x1024xf32> -> vector<2048x1024xf32>
    %get3A_6 = arith.constant 0 : index
    %get3A_7 = arith.constant 0 : index
    %get3A_8 = vector.load %arg3[%get3A_6, %get3A_7] : memref<1x2048xf32, #tpu.memory_space<vmem>>, vector<1x2048xf32>
    %broadcast_in_dim3A = arith.constant 1.000000e+00 : f32
    %broadcast_in_dim3A_9 = vector.broadcast %broadcast_in_dim3A : f32 to vector<1x1024xf32>
    %dot_general3A_10 = arith.constant dense<0.000000e+00> : vector<2048x1024xf32>
    %dot_general3A_11 = tpu.matmul %get3A_8, %broadcast_in_dim3A_9, %dot_general3A_10 {dimension_numbers = #tpu.dot_dimension_numbers<[0], [0], [1], [1], [0, 1, 1, 1], [], []>, transpose_lhs_hint = false} : vector<1x2048xf32>, vector<1x1024xf32>, vector<2048x1024xf32> -> vector<2048x1024xf32>
    %add3A = arith.addf %dot_general3A_5, %dot_general3A_11 : vector<2048x1024xf32>
    %swap3A = arith.constant 0 : index
    %swap3A_12 = arith.constant 0 : index
    %swap3A_13 = vector.load %arg4[%swap3A, %swap3A_12] : memref<2048x1024xf32, #tpu.memory_space<vmem>>, vector<2048x1024xf32>
    tpu.vector_store %arg4[%swap3A, %swap3A_12], %add3A {strides = array<i32>} : memref<2048x1024xf32, #tpu.memory_space<vmem>>, vector<2048x1024xf32>,
    return
  }
  func.func @transform_0(%arg0: i32) -> (i32, i32) {
    %c0_i32 = arith.constant 0 : i32
    %c0_i32_0 = arith.constant 0 : i32
    %c0_i32_1 = arith.constant 0 : i32
    return %c0_i32, %c0_i32_0 : i32, i32
  }
  func.func @transform_1(%arg0: i32) -> (i32, i32) {
    %c0_i32 = arith.constant 0 : i32
    %c0_i32_0 = arith.constant 0 : i32
    return %c0_i32, %arg0 : i32, i32
  }
  func.func @transform_2(%arg0: i32) -> (i32, i32) {
    %c0_i32 = arith.constant 0 : i32
    %c0_i32_0 = arith.constant 0 : i32
    return %c0_i32, %arg0 : i32, i32
  }
  func.func @transform_3(%arg0: i32) -> (i32, i32) {
    %c0_i32 = arith.constant 0 : i32
    %c0_i32_0 = arith.constant 0 : i32
    return %arg0, %c0_i32 : i32, i32
  }
}

</mosaic_0001>

<sc_bundles>
// kernel: kernel.5.cloned.1.call-start
scs
__scs_entry_jumppad:
0x0: {  	(pc) =	sbr.rel $0x88, $3  }
0x1: {  	(tag) =	ssettag $0x0;
	lr =	simm.s32 $0x1  }
0x2: {  	[smem:$0x3F9D] =	sst lr;
	_ =	strace $0xD0000000  }
0x3: {  	_ = 	snop  }
0x4: {  	_ = 	snop  }
0x5: {  	_ = 	snop  }
0x6: {  	_ = 	snop  }
0x7: {  	_ = 	snop  }
__scs_overlays_trampoline_lowered:
0x8: {  	[smem:$0x3FAC] =	sst s0  }
0x9: {  	[smem:$0x3FAD] =	sst s1  }
0xa: {  	[smem:$0x3FAE] =	sst s2  }
0xb: {  	[smem:$0x3FAF] =	sst s3  }
0xc: {  	[smem:$0x3FB0] =	sst s4  }
0xd: {  	[smem:$0x3FB1] =	sst s5  }
0xe: {  	[smem:$0x3FB2] =	sst s6  }
0xf: {  	[smem:$0x3FB3] =	sst s7  }
0x10: {  	[smem:$0x3FB4] =	sst s8  }
0x11: {  	[smem:$0x3FB5] =	sst s9;
	s0 =	simm.s32 @!p0 $0x0  }
0x12: {  	s1 =	sld [smem:$0x3F9B];
	s0 =	simm.s32 @p0 $0x1  }
0x13: {  	[smem:$0x3FB6] =	sst s0;
	s0 =	simm.s32 @!p1 $0x0  }
0x14: {  	s2 =	sld [smem:$0x3F9A];
	s0 =	simm.s32 @p1 $0x1  }
0x15: {  	[smem:$0x3FB7] =	sst s0;
	s0 =	simm.s32 @!p2 $0x0  }
0x16: {  	s3 =	sld [smem:$0x3FDB];
	s0 =	simm.s32 @p2 $0x1  }
0x17: {  	s4 =	simm.s32 $0x1BF5;
	[smem:$0x3FB9] =	sst s0  }
0x18: {  	s0 =	sld [smem:$0x3F9C];
	_ =	swait.ge [sflag:s4], $0x0  }
0x19: {  	s7 =	sld [smem:$0x3F9D]  }
0x1a: {  	s8 =	sadd.s32 $0xFFFFE003, lr  }
0x1b: {  	s9 =	sadd.s32 $0xFFFFFEF7, lr;
	s5 =	simm.s32 $0xFFFFFFFF;
	p2 =	slt.u32 s8, $0xFFFFF086  }
0x1c: {  	p1 =	slt.u32 s9, $0xF7A;
	s5 =	simm.s32 @!p2 $0x0  }
0x1d: {  	s5 =	simm.s32 @p1 $0x1;
	p0 =	seq.s32 s7, s2  }
0x1e: {  	s7 =	smul.u32 @!p0 $0xF7A, s2;
	p2 =	seq.s32 @!p0 s5, $0x0  }
0x1f: {  	s9 =	smul.u32 $0xF7A, s1;
	s8 =	simm.s32 @!p0 $0x1BF5;
	p2 =	por !p2, p0  }
0x20: {  	[sflag:s8] =	ssyncset.s32 @!p0 $0xFFFFF086;
	s6 =	sadd.s32 @!p0 s3, s7;
	s7 =	simm.s32 @!p0 $0x108  }
0x21: {  	s3 =	sadd.s32 s3, s9;
	s6 =	sadd.s32 @!p0 $0x88, s6;
	s7 =	simm.s32 @p2 $0x1082  }
0x22: {  	[simem:s7], [sflag:s8] =	dma.local @!p0 [hbm:s6], $0xF7A  }
0x23: {  	s9 =	sor.u32 $0xD0000000, s2;
	s6 =	simm.s32 $0x108;
	_ =	swait.ge @!p0 [sflag:s8], $0x0  }
0x24: {  	s3 =	sadd.s32 $0x88, s3;
	s6 =	simm.s32 @!p1 $0x1082;
	[sflag:s4] =	ssyncset.s32 $0xFFFFF086  }
0x25: {  	[simem:s6], [sflag:s4] =	dma.local [hbm:s3], $0xF7A  }
0x26: {  	[smem:$0x3F9D] =	sst s1;
	(tag) =	ssettag s2;
	_ =	strace s9  }
0x27: {  	s1 =	sld [smem:$0x3FAD]  }
0x28: {  	s2 =	sld [smem:$0x3FAE]  }
0x29: {  	s4 =	sld [smem:$0x3FB0]  }
0x2a: {  	p0 =	seq.s32 s5, $0x0;
	s5 =	sld [smem:$0x3FB1]  }
0x2b: {  	s6 =	sld [smem:$0x3FB2]  }
0x2c: {  	s7 =	sld [smem:$0x3FB3]  }
0x2d: {  	s3 =	simm.s32 $0x108;
	s8 =	sld [smem:$0x3FB4]  }
0x2e: {  	s3 =	simm.s32 @!p0 $0x1082;
	s9 =	sld [smem:$0x3FB5]  }
0x2f: {  	lr =	sadd.s32 s0, s3;
	s0 =	sld [smem:$0x3FAC]  }
0x30: {  	s3 =	sld [smem:$0x3FAF]  }
0x31: {  	[smem:$0x3FB8] =	sst s10  }
0x32: {  	s10 =	sld [smem:$0x3FB6];
	_ =	sdelay $0x3  }
0x33: {  	p0 =	seq.s32 s10, $0x1;
	s10 =	sld [smem:$0x3FB8];
	_ =	sdelay $0x3  }
0x34: {  	[smem:$0x3FB8] =	sst s10  }
0x35: {  	s10 =	sld [smem:$0x3FB7];
	_ =	sdelay $0x3  }
0x36: {  	p1 =	seq.s32 s10, $0x1;
	s10 =	sld [smem:$0x3FB8];
	_ =	sdelay $0x3  }
0x37: {  	[smem:$0x3FB8] =	sst s10  }
0x38: {  	s10 =	sld [smem:$0x3FB9]  }
0x39: {  	_ = 	snop;
	(pc) =	sbr.ind lr, $3  }
0x3a: {  	_ = 	snop  }
0x3b: {  	_ = 	snop  }
0x3c: {  	p2 =	seq.s32 s10, $0x1;
	s10 =	sld [smem:$0x3FB8]  }
0x3d: {  	_ =	shalt  }
0x3e: {  	_ =	shalt  }
0x3f: {  	_ =	shalt  }
0x40: {  	_ =	shalt  }
0x41: {  	_ =	shalt  }
0x42: {  	_ =	shalt  }
0x43: {  	_ =	shalt  }
0x44: {  	_ =	shalt  }
0x45: {  	_ =	shalt  }
0x46: {  	_ =	shalt  }
0x47: {  	_ =	shalt  }
0x48: {  	_ =	shalt  }
0x49: {  	_ =	shalt  }
0x4a: {  	_ =	shalt  }
0x4b: {  	_ =	shalt  }
0x4c: {  	_ =	shalt  }
0x4d: {  	_ =	shalt  }
0x4e: {  	_ =	shalt  }
0x4f: {  	_ =	shalt  }
0x50: {  	_ =	shalt  }
0x51: {  	_ =	shalt  }
0x52: {  	_ =	shalt  }
0x53: {  	_ =	shalt  }
0x54: {  	_ =	shalt  }
0x55: {  	_ =	shalt  }
0x56: {  	_ =	shalt  }
0x57: {  	_ =	shalt  }
0x58: {  	_ =	shalt  }
0x59: {  	_ =	shalt  }
0x5a: {  	_ =	shalt  }
0x5b: {  	_ =	shalt  }
0x5c: {  	_ =	shalt  }
0x5d: {  	_ =	shalt  }
0x5e: {  	_ =	shalt  }
0x5f: {  	_ =	shalt  }
0x60: {  	_ =	shalt  }
0x61: {  	_ =	shalt  }
0x62: {  	_ =	shalt  }
0x63: {  	_ =	shalt  }
0x64: {  	_ =	shalt  }
0x65: {  	_ =	shalt  }
0x66: {  	_ =	shalt  }
0x67: {  	_ =	shalt  }
0x68: {  	_ =	shalt  }
0x69: {  	_ =	shalt  }
0x6a: {  	_ =	shalt  }
0x6b: {  	_ =	shalt  }
0x6c: {  	_ =	shalt  }
0x6d: {  	_ =	shalt  }
0x6e: {  	_ =	shalt  }
0x6f: {  	_ =	shalt  }
0x70: {  	_ =	shalt  }
0x71: {  	_ =	shalt  }
0x72: {  	_ =	shalt  }
0x73: {  	_ =	shalt  }
0x74: {  	_ =	shalt  }
0x75: {  	_ =	shalt  }
0x76: {  	_ =	shalt  }
0x77: {  	_ =	shalt  }
0x78: {  	_ =	shalt  }
0x79: {  	_ =	shalt  }
0x7a: {  	_ =	shalt  }
0x7b: {  	_ =	shalt  }
0x7c: {  	_ =	shalt  }
0x7d: {  	_ =	shalt  }
0x7e: {  	_ =	shalt  }
0x7f: {  	_ =	shalt  }
0x80: {  	_ =	shalt  }
0x81: {  	_ =	shalt  }
0x82: {  	_ =	shalt  }
0x83: {  	_ =	shalt  }
0x84: {  	_ =	shalt  }
0x85: {  	_ =	shalt  }
0x86: {  	_ =	shalt  }
0x87: {  	_ =	shalt  }
.Lfunc_end0:
.L_simem_size_0:
called_computation_lowered:
.L_overlay_start_0:
0x88: {  	s2 =	sld [smem:$0x3FD9]  }
0x89: {  	s3 =	sld [smem:$0x3FFE];
	_ =	sdelay $0x1  }
0x8a: {  	s1 =	srdreg.scid  }
0x8b: {  	s0 =	sand.u32 $0x1, s1  }
0x8c: {  	s17 =	sshll.u32 s0, $0xA;
	s2 =	sadd.s32 s3, s2  }
0x8d: {  	s2 =	sadd.s32 s2, s17  }
0x8e: {  	[smem:$0x3FC4] =	sst s2  }
0x8f: {  	_ = 	snop  }
0x90: {  	s2 =	sld [smem:$0x3FD0];
	(tm) =	ssettm $0x1  }
0x91: {  	s18 =	sld [smem:$0x3FFB];
	_ =	sdelay $0x3  }
0x92: {  	_ =	strace s18  }
0x93: {  	s3 =	sld [smem:$0x3FFC];
	_ =	sdelay $0x3  }
0x94: {  	_ =	strace s3  }
0x95: {  	s3 =	sld [smem:$0x3FFD];
	_ =	sdelay $0x3  }
0x96: {  	_ =	strace s3  }
0x97: {  	_ =	strace $0x8FFFFFFF  }
0x98: {  	s19 =	sld [smem:$0x3FDB];
	_ =	sdelay $0x1  }
0x99: {  	s4 =	simm.s32 $_scs_section_size  }
0x9a: {  	s5 =	simm.s32 $_size__tile_overlayer_lowered;
	s6 =	simm.s32 $_tile_overlayer_lowered  }
0x9b: {  	s22 =	simm.s32 $0x1BFF;
	s21 =	sshll.u32 s6, $0x1;
	s3 =	sadd.s32 s4, s19  }
0x9c: {  	s7 =	simm.s32 $0x0;
	s20 =	sshll.u32 s5, $0x1;
	s5 =	sadd.s32 s21, s3  }
0x9d: {  	[timem:s7], [sflag:s22] =	dma.local [hbm:s5], s20  }
0x9e: {  	_ =	swait.ge [sflag:s22], s20  }
0x9f: {  	s4 =	ssub.s32 $0x0, s20;
	[sflag:s22] =	ssyncset.done $0x0  }
0xa0: {  	[sflag:s22] =	ssyncadd.s32 s4;
	_ =	sdelay $0x1  }
0xa1: {  	s23 =	simm.s32 $0x1B8B  }
0xa2: {  	_ =	swait.ge [sflag:s23], $0x1  }
0xa3: {  	[sflag:s23] =	ssyncset.done $0x0  }
0xa4: {  	s25 =	simm.s32 $0x1B8E;
	s24 =	sld [smem:$0x3FFE];
	[sflag:s23] =	ssyncadd.s32 $0xFFFFFFFF  }
0xa5: {  	s26 =	simm.s32 $execute0_lowered;
	[smem:$0x3FD2] =	sst s25  }
0xa6: {  	s5 =	sshll.u32 s26, $0x1;
	_ =	strace $0x80000046;
	[dreg:$0x1] =	wrdreg $0xFFFFFFFF  }
0xa7: {  	s28 =	simm.s32 $_size_execute0_lowered;
	s3 =	sadd.s32 s3, s5;
	[dreg:$0x0] =	wrdreg $0x0  }
0xa8: {  	s5 =	sshll.u32 s28, $0x1;
	[dreg:$0x2] =	wrdreg s3  }
0xa9: {  	[dreg:$0x3] =	wrdreg s5  }
0xaa: {  	[dreg:$0x4] =	wrdreg $0xC0  }
0xab: {  	_ =	task [dreg:s7], $0x5FFFF  }
0xac: {  	[dreg:$0x1] =	wrdreg $0xFFFFFFFF  }
0xad: {  	[dreg:$0x0] =	wrdreg $0x60  }
0xae: {  	[dreg:$0x2] =	wrdreg s24  }
0xaf: {  	[dreg:$0x3] =	wrdreg s2  }
0xb0: {  	[dreg:$0x4] =	wrdreg $0x9  }
0xb1: {  	_ =	task.clear_ibuf [dreg:s7], $0x5FFFF;
	_ =	strace $0x90000046  }
0xb2: {  	s29 =	simm.s32 $0x9;
	_ =	strace $0x80000048  }
0xb3: {  	_ =	swait.ge [sflag:s29], $0x1  }
0xb4: {  	[sflag:s29] =	ssyncadd.s32 $0xFFFFFFFF  }
0xb5: {  	_ =	strace $0x90000048  }
0xb6: {  	_ =	sfence  }
0xb7: {  	s30 =	sld [smem:$0x0];
	_ =	sdelay $0x2  }
0xb8: {  	s31 =	sshll.u32 s1, $0xD;
	s1 =	sshrl.u32 s1, $0x2  }
0xb9: {  	s3 =	sand.u32 $0x4000, s31;
	s1 =	sadd.s32 s1, s30  }
0xba: {  	s0 =	sor.u32 s3, s0;
	s1 =	sshll.u32 s1, $0x11  }
0xbb: {  	s0 =	sor.u32 s1, s0  }
0xbc: {  	s0 =	sadd.s32 $0x8F2B, s0  }
0xbd: {  	[sflag:s0] =	ssyncadd.remote.s32 $0x1  }
0xbe: {  	_ =	sfence.sel $0xFFFF  }
0xbf: {  	[dreg:$0x0] =	wrdreg $0xFFFFFFFF;
	(pc) =	sbr.abs _section_cstart, $3  }
0xc0: {  	[dreg:$0x1] =	wrdreg $0xFFFFFFFF  }
0xc1: {  	_ =	task.clear_ibuf [dreg:s7], $0x2FFFF;
	_ =	strace $0x9FFFFFFF  }
0xc2: {  	(tm) =	ssettm $0x7FFFFFFF  }
0xc3: {  	_ =	shalt  }
tec
execute0_lowered:
.L_overlay_start_1:
0x0: {  	(tag) =	ssettag $0x1  }
0x1: {  	s4 =	rddreg [dreg:$0x0]  }
0x2: {  	s1 =	srdreg.scid;
	s0 =	stileid.u32  }
0x3: {  	s2 =	rddreg [dreg:$0x1];
	s3 =	simm.s32 $0x0;
	s11 =	simm.s32 $0x2  }
0x4: {  	s12 =	simm.s32 $0x80;
	s13 =	simm.s32 $0x100;
	s14 =	simm.s32 $0x180  }
0x5: {  	s15 =	simm.s32 $0x200;
	s16 =	simm.s32 $0x280;
	s17 =	simm.s32 $0x4280  }
0x6: {  	s18 =	simm.s32 $0x8280;
	s19 =	simm.s32 $0xC280;
	s20 =	simm.s32 $0x10280  }
0x7: {  	s21 =	simm.s32 $0x1;
	s5 =	sand.u32 $0x1, s1;
	s6 =	sshll.u32 s0, $0x1  }
0x8: {  	s22 =	simm.s32 $0x14280;
	s1 =	rddreg [dreg:$0x2];
	s6 =	sor.u32 s5, s6  }
0x9: {  	s23 =	simm.s32 $0x0;
	[smem:$0x7FF] =	sst s3;
	s7 =	smul.u32 $0x280, s6  }
0xa: {  	_ =	strace $0x80000047;
	s5 =	ssub.s32 $0x2, s5;
	s6 =	sshll.u32 s6, $0x7  }
0xb: {  	s31 =	sshrl.u32 s5, $0x1;
	s9 =	sadd.s32 s6, s4;
	s7 =	sshrl.u32 s7, $0x3  }
0xc: {  	s10 =	ssub.s32 s5, s31;
	s9 =	sadd.s32 $0x2200, s9;
	s8 =	sadd.s32 s7, s4  }
0xd: {  	s10 =	smax.u32 s10, $0x1;
	s4 =	sadd.s32 $0x1800, s8;
	s5 =	sadd.s32 $0x1810, s8  }
0xe: {  	s6 =	sadd.s32 $0x1820, s8;
	s7 =	sadd.s32 $0x1830, s8;
	s8 =	sadd.s32 $0x1840, s8  }
.LBB2_1:
0xf: {  	[tilespmem:s3], [sflag:$0x2] =	stream.linear.gather [hbm4b:s4+s3], $0x80, $0x38;
	[tilespmem:$0x14680] =	vst v63  }
0x10: {  	_ =	swait.ge [sflag:s11], $0x80  }
0x11: {  	[sflag:s11] =	ssyncset.done $0x0  }
0x12: {  	[sflag:s11] =	ssyncadd.s32 $0xFFFFFF80  }
0x13: {  	[tilespmem:s12], [sflag:$0x2] =	stream.linear.gather [hbm4b:s5+s3], $0x80, $0x38;
	[tilespmem:$0x14680] =	vst v63  }
0x14: {  	_ =	swait.ge [sflag:s11], $0x80  }
0x15: {  	[sflag:s11] =	ssyncset.done $0x0  }
0x16: {  	[sflag:s11] =	ssyncadd.s32 $0xFFFFFF80  }
0x17: {  	[tilespmem:s13], [sflag:$0x2] =	stream.linear.gather [hbm4b:s6+s3], $0x80, $0x38;
	[tilespmem:$0x14680] =	vst v63  }
0x18: {  	_ =	swait.ge [sflag:s11], $0x80  }
0x19: {  	[sflag:s11] =	ssyncset.done $0x0  }
0x1a: {  	[sflag:s11] =	ssyncadd.s32 $0xFFFFFF80  }
0x1b: {  	[tilespmem:s14], [sflag:$0x2] =	stream.linear.gather [hbm4b:s7+s3], $0x80, $0x38;
	[tilespmem:$0x14680] =	vst v63  }
0x1c: {  	_ =	swait.ge [sflag:s11], $0x80  }
0x1d: {  	[sflag:s11] =	ssyncset.done $0x0  }
0x1e: {  	[sflag:s11] =	ssyncadd.s32 $0xFFFFFF80  }
0x1f: {  	[tilespmem:s15], [sflag:$0x2] =	stream.linear.gather [hbm4b:s8+s3], $0x80, $0x38;
	[tilespmem:$0x14680] =	vst v63  }
0x20: {  	_ =	swait.ge [sflag:s11], $0x80  }
0x21: {  	[sflag:s11] =	ssyncset.done $0x0  }
0x22: {  	[sflag:s11] =	ssyncadd.s32 $0xFFFFFF80  }
0x23: {  	[tilespmem:s16], [sflag:$0x1] =	stream.indirect.gather [hbm4b:s2+s12], $0x80, s3, s12, $0xb8;
	[tilespmem:$0x14680] =	vst v63  }
0x24: {  	_ = 	snop  }
0x25: {  	[tilespmem:s17], [sflag:$0x1] =	stream.indirect.gather [hbm4b:s2+s12], $0x80, s12, s12, $0xb8;
	[tilespmem:$0x14680] =	vst v63  }
0x26: {  	_ = 	snop  }
0x27: {  	[tilespmem:s18], [sflag:$0x1] =	stream.indirect.gather [hbm4b:s2+s12], $0x80, s13, s12, $0xb8;
	[tilespmem:$0x14680] =	vst v63  }
0x28: {  	_ = 	snop  }
0x29: {  	[tilespmem:s19], [sflag:$0x1] =	stream.indirect.gather [hbm4b:s2+s12], $0x80, s14, s12, $0xb8;
	[tilespmem:$0x14680] =	vst v63  }
0x2a: {  	_ = 	snop  }
0x2b: {  	[tilespmem:s20], [sflag:$0x1] =	stream.indirect.gather [hbm4b:s2+s12], $0x80, s15, s12, $0xb8;
	[tilespmem:$0x14680] =	vst v63  }
0x2c: {  	_ =	swait.ge [sflag:s21], $0x4000  }
0x2d: {  	[sflag:s21] =	ssyncset.done $0x0  }
0x2e: {  	[sflag:s21] =	ssyncadd.s32 $0xFFFFC000  }
0x2f: {  	_ =	swait.ge [sflag:s21], $0x4000  }
0x30: {  	[sflag:s21] =	ssyncset.done $0x0  }
0x31: {  	[sflag:s21] =	ssyncadd.s32 $0xFFFFC000  }
0x32: {  	_ =	swait.ge [sflag:s21], $0x4000  }
0x33: {  	[sflag:s21] =	ssyncset.done $0x0  }
0x34: {  	[sflag:s21] =	ssyncadd.s32 $0xFFFFC000  }
0x35: {  	_ =	swait.ge [sflag:s21], $0x4000  }
0x36: {  	[sflag:s21] =	ssyncset.done $0x0  }
0x37: {  	[sflag:s21] =	ssyncadd.s32 $0xFFFFC000  }
0x38: {  	_ =	swait.ge [sflag:s21], $0x4000  }
0x39: {  	[sflag:s21] =	ssyncset.done $0x0  }
0x3a: {  	s24 =	simm.s32 $0x780;
	[sflag:s21] =	ssyncadd.s32 $0xFFFFC000  }
0x3b: {  	v0 =	vld [tilespmem:s24+$0xFFFFFB00]  }
0x3c: {  	v1 =	vld [tilespmem:s24+$0xFFFFFB10]  }
0x3d: {  	v2 =	vld [tilespmem:s24+$0xFFFFFB80]  }
0x3e: {  	v3 =	vld [tilespmem:s24+$0xFFFFFB90]  }
0x3f: {  	v4 =	vld [tilespmem:s24+$0xFFFFFC00]  }
0x40: {  	v5 =	vld [tilespmem:s24+$0xFFFFFC10];
	v0 =	vadd.f32 $0.0e+00, v0  }
0x41: {  	v6 =	vld [tilespmem:s24+$0xFFFFFC80]  }
0x42: {  	v7 =	vld [tilespmem:s24+$0xFFFFFD00];
	v1 =	vadd.f32 $0.0e+00, v1;
	v0 =	vadd.f32 v2, v0  }
0x43: {  	v2 =	vld [tilespmem:s24+$0xFFFFFC90]  }
0x44: {  	v44 =	vld [tilespmem:s24+$0xFFFFFD80];
	v1 =	vadd.f32 v3, v1;
	v0 =	vadd.f32 v4, v0  }
0x45: {  	v3 =	vld [tilespmem:s24+$0xFFFFFD10]  }
0x46: {  	v45 =	vld [tilespmem:s24+$0xFFFFFD90];
	v1 =	vadd.f32 v5, v1;
	v0 =	vadd.f32 v6, v0  }
0x47: {  	v46 =	vld [tilespmem:s24+$0xFFFFFE00]  }
0x48: {  	v47 =	vld [tilespmem:s24+$0xFFFFFE80];
	v1 =	vadd.f32 v2, v1;
	v0 =	vadd.f32 v7, v0  }
0x49: {  	v2 =	vld [tilespmem:s24+$0xFFFFFE10]  }
0x4a: {  	v48 =	vld [tilespmem:s24+$0xFFFFFF00];
	v1 =	vadd.f32 v3, v1;
	v0 =	vadd.f32 v44, v0  }
0x4b: {  	v3 =	vld [tilespmem:s24+$0xFFFFFE90]  }
0x4c: {  	v49 =	vld [tilespmem:s24+$0xFFFFFF10];
	v1 =	vadd.f32 v45, v1;
	v0 =	vadd.f32 v46, v0  }
0x4d: {  	v50 =	vld [tilespmem:s24+$0xFFFFFF80]  }
0x4e: {  	v51 =	vld [tilespmem:s24+$0x0];
	v1 =	vadd.f32 v2, v1;
	v0 =	vadd.f32 v47, v0  }
0x4f: {  	v2 =	vld [tilespmem:s24+$0xFFFFFF90]  }
0x50: {  	v52 =	vld [tilespmem:s24+$0x80];
	v1 =	vadd.f32 v3, v1;
	v0 =	vadd.f32 v48, v0  }
0x51: {  	v3 =	vld [tilespmem:s24+$0x10]  }
0x52: {  	v53 =	vld [tilespmem:s24+$0x90];
	v1 =	vadd.f32 v49, v1;
	v0 =	vadd.f32 v50, v0  }
0x53: {  	v54 =	vld [tilespmem:s24+$0x100]  }
0x54: {  	v55 =	vld [tilespmem:s24+$0x180];
	v1 =	vadd.f32 v2, v1;
	v0 =	vadd.f32 v51, v0  }
0x55: {  	v2 =	vld [tilespmem:s24+$0x110]  }
0x56: {  	v56 =	vld [tilespmem:s24+$0x200];
	v1 =	vadd.f32 v3, v1;
	v0 =	vadd.f32 v52, v0  }
0x57: {  	v3 =	vld [tilespmem:s24+$0x190]  }
0x58: {  	v57 =	vld [tilespmem:s24+$0x210];
	v1 =	vadd.f32 v53, v1;
	v0 =	vadd.f32 v54, v0  }
0x59: {  	v58 =	vld [tilespmem:s24+$0x280]  }
0x5a: {  	v59 =	vld [tilespmem:s24+$0x300];
	v1 =	vadd.f32 v2, v1;
	v0 =	vadd.f32 v55, v0  }
0x5b: {  	v2 =	vld [tilespmem:s24+$0x290]  }
0x5c: {  	v60 =	vld [tilespmem:s24+$0x380];
	v1 =	vadd.f32 v3, v1;
	v0 =	vadd.f32 v56, v0  }
0x5d: {  	v3 =	vld [tilespmem:s24+$0x310]  }
0x5e: {  	v61 =	vld [tilespmem:s24+$0x390];
	v1 =	vadd.f32 v57, v1;
	v0 =	vadd.f32 v58, v0  }
0x5f: {  	v62 =	vld [tilespmem:s24+$0x400]  }
0x60: {  	v63 =	vld [tilespmem:s24+$0x480];
	v1 =	vadd.f32 v2, v1;
	v0 =	vadd.f32 v59, v0  }
0x61: {  	v2 =	vld [tilespmem:s24+$0x410]  }
0x62: {  	v1 =	vadd.f32 v3, v1;
	v0 =	vadd.f32 v60, v0  }
0x63: {  	v3 =	vld [tilespmem:s24+$0x490]  }
0x64: {  	v1 =	vadd.f32 v61, v1;
	v0 =	vadd.f32 v62, v0;
	_ =	sdelay $0x1  }
0x65: {  	v1 =	vadd.f32 v2, v1;
	v2 =	vadd.f32 v63, v0  }
0x66: {  	s26 =	simm.s32 $0x0  }
0x67: {  	s25 =	simm.s32 $0x80;
	v0 =	vadd.f32 v3, v1;
	[tilespmem:s26+$0x14280] =	vst v2  }
.LBB2_2:
0x68: {  	p0 =	sne.s32 s25, $0xF80  }
0x69: {  	[tilespmem:s26+$0x14290] =	vst v0;
	s24 =	sadd.s32 $0xA00, s24;
	s26 =	smov.u32 s25;
	s25 =	sadd.s32 $0x80, s25  }
0x6a: {  	v0 =	vld [tilespmem:s24+$0xFFFFFB00]  }
0x6b: {  	v1 =	vld [tilespmem:s24+$0xFFFFFB10]  }
0x6c: {  	v2 =	vld [tilespmem:s24+$0xFFFFFB80]  }
0x6d: {  	v3 =	vld [tilespmem:s24+$0xFFFFFB90]  }
0x6e: {  	v4 =	vld [tilespmem:s24+$0xFFFFFC00]  }
0x6f: {  	v0 =	vadd.f32 $0.0e+00, v0;
	v5 =	vld [tilespmem:s24+$0xFFFFFC10]  }
0x70: {  	v1 =	vadd.f32 $0.0e+00, v1;
	v6 =	vld [tilespmem:s24+$0xFFFFFC80]  }
0x71: {  	v0 =	vadd.f32 v2, v0;
	v2 =	vld [tilespmem:s24+$0xFFFFFC90]  }
0x72: {  	v1 =	vadd.f32 v3, v1;
	v3 =	vld [tilespmem:s24+$0xFFFFFD00]  }
0x73: {  	v0 =	vadd.f32 v4, v0;
	v4 =	vld [tilespmem:s24+$0xFFFFFD10]  }
0x74: {  	v1 =	vadd.f32 v5, v1;
	v5 =	vld [tilespmem:s24+$0xFFFFFD80]  }
0x75: {  	v0 =	vadd.f32 v6, v0;
	v6 =	vld [tilespmem:s24+$0xFFFFFD90]  }
0x76: {  	v1 =	vadd.f32 v2, v1;
	v2 =	vld [tilespmem:s24+$0xFFFFFE00]  }
0x77: {  	v0 =	vadd.f32 v3, v0;
	v3 =	vld [tilespmem:s24+$0xFFFFFE10]  }
0x78: {  	v1 =	vadd.f32 v4, v1;
	v4 =	vld [tilespmem:s24+$0xFFFFFE80]  }
0x79: {  	v0 =	vadd.f32 v5, v0;
	v5 =	vld [tilespmem:s24+$0xFFFFFE90]  }
0x7a: {  	v1 =	vadd.f32 v6, v1;
	v6 =	vld [tilespmem:s24+$0xFFFFFF00]  }
0x7b: {  	v0 =	vadd.f32 v2, v0;
	v2 =	vld [tilespmem:s24+$0xFFFFFF10]  }
0x7c: {  	v1 =	vadd.f32 v3, v1;
	v3 =	vld [tilespmem:s24+$0xFFFFFF80]  }
0x7d: {  	v0 =	vadd.f32 v4, v0;
	v4 =	vld [tilespmem:s24+$0xFFFFFF90]  }
0x7e: {  	v1 =	vadd.f32 v5, v1;
	v5 =	vld [tilespmem:s24+$0x0]  }
0x7f: {  	v0 =	vadd.f32 v6, v0;
	v6 =	vld [tilespmem:s24+$0x10]  }
0x80: {  	v1 =	vadd.f32 v2, v1;
	v2 =	vld [tilespmem:s24+$0x80]  }
0x81: {  	v0 =	vadd.f32 v3, v0;
	v3 =	vld [tilespmem:s24+$0x90]  }
0x82: {  	v1 =	vadd.f32 v4, v1;
	v4 =	vld [tilespmem:s24+$0x100]  }
0x83: {  	v0 =	vadd.f32 v5, v0;
	v5 =	vld [tilespmem:s24+$0x110]  }
0x84: {  	v1 =	vadd.f32 v6, v1;
	v6 =	vld [tilespmem:s24+$0x180]  }
0x85: {  	v0 =	vadd.f32 v2, v0;
	v2 =	vld [tilespmem:s24+$0x190]  }
0x86: {  	v1 =	vadd.f32 v3, v1;
	v3 =	vld [tilespmem:s24+$0x200]  }
0x87: {  	v0 =	vadd.f32 v4, v0;
	v4 =	vld [tilespmem:s24+$0x210]  }
0x88: {  	v1 =	vadd.f32 v5, v1;
	v5 =	vld [tilespmem:s24+$0x280]  }
0x89: {  	v0 =	vadd.f32 v6, v0;
	v6 =	vld [tilespmem:s24+$0x290]  }
0x8a: {  	v1 =	vadd.f32 v2, v1;
	v2 =	vld [tilespmem:s24+$0x300]  }
0x8b: {  	v0 =	vadd.f32 v3, v0;
	v3 =	vld [tilespmem:s24+$0x310]  }
0x8c: {  	v1 =	vadd.f32 v4, v1;
	v4 =	vld [tilespmem:s24+$0x380]  }
0x8d: {  	v0 =	vadd.f32 v5, v0;
	v5 =	vld [tilespmem:s24+$0x390]  }
0x8e: {  	v1 =	vadd.f32 v6, v1;
	v6 =	vld [tilespmem:s24+$0x400]  }
0x8f: {  	v0 =	vadd.f32 v2, v0;
	v2 =	vld [tilespmem:s24+$0x410]  }
0x90: {  	v1 =	vadd.f32 v3, v1;
	v3 =	vld [tilespmem:s24+$0x480]  }
0x91: {  	v0 =	vadd.f32 v4, v0;
	v4 =	vld [tilespmem:s24+$0x490]  }
0x92: {  	v1 =	vadd.f32 v5, v1  }
.Ltmp0:
0x93: {  	v0 =	vadd.f32 v6, v0;
	(pc) =	sbr.rel @p0 .LBB2_2-.Ltmp0, $4  }
0x94: {  	v1 =	vadd.f32 v2, v1  }
0x95: {  	v2 =	vadd.f32 v3, v0  }
0x96: {  	s26 =	sshra.s32 s26, $0x2;
	v0 =	vadd.f32 v4, v1  }
0x97: {  	[tilespmem:s26+$0x14280] =	vst v2  }
0x98: {  	s23 =	sadd.s32 $0x1, s23  }
0x99: {  	p0 =	sne.s32 s23, s10  }
.Ltmp1:
0x9a: {  	[tilespmem:s26+$0x14290] =	vst v0;
	(pc) =	sbr.rel @p0 .LBB2_1-.Ltmp1, $4  }
0x9b: {  	[hbm4b:s9+s3] =	stream.linear.scatter [tilespmem:s22], [sflag:$0x2], $0x400, $0x38;
	[tilespmem:$0x14680] =	vst v63  }
0x9c: {  	_ =	swait.ge [sflag:s11], $0x400  }
0x9d: {  	[sflag:s11] =	ssyncset.done $0x0  }
0x9e: {  	[sflag:s11] =	ssyncadd.s32 $0xFFFFFC00  }
0x9f: {  	_ =	sfence.sel $0x180000  }
0xa0: {  	[bflag:$0x0] =	sbarrier.arrive $0xFFFF  }
0xa1: {  	p0 =	sne.s32 s0, $0x0;
	_ =	strace $0x90000047  }
0xa2: {  	s0 =	sadd.s32 @!p0 $0x100000, s1;
	[bflag:$0x2] =	sbarrier.arrive $0xFFFF  }
0xa3: {  	[sflag:s0] =	ssyncadd.tile.s32 @!p0 $0x1;
	_ =	shalt  }
.Lfunc_end2:
_tile_overlayer_lowered:
.L_overlay_start_2:
0xa4: {  	(tag) =	ssettag $0x2  }
0xa5: {  	s0 =	rddreg [dreg:$0x0];
	s2 =	stileid.u32  }
0xa6: {  	s1 =	rddreg [dreg:$0x1];
	p0 =	sne.s32 s2, $0x0  }
0xa7: {  	s3 =	rddreg [dreg:$0x2];
	[bflag:$0x3] =	sbarrier.arrive $0xFFFF;
	s2 =	simm.s32 @!p0 $0x1C02  }
0xa8: {  	[timem:s3], [sflag:s2] =	dma.local @!p0 [hbm:s0], s1  }
0xa9: {  	s0 =	simm.s32 @!p0 $0x2  }
0xaa: {  	_ =	swait.ge @!p0 [sflag:s0], s1  }
0xab: {  	s1 =	ssub.s32 @!p0 $0x0, s1;
	[sflag:s0] =	ssyncset.done @!p0 $0x0  }
0xac: {  	[sflag:s0] =	ssyncadd.s32 @!p0 s1  }
0xad: {  	[bflag:$0x3] =	sbarrier.arrive $0xFFFF  }
0xae: {  	_ =	shalt  }

</sc_bundles>
